<compile_context>
chip_gen: v7x
topology: tpu7x:2x2x1
jax: 0.10.2.dev20260603
libtpu: 0.0.44.dev20260713+nightly
codegen_flags: <defaults>
</compile_context>

<pallas_src>
import functools

import jax
import jax.numpy as jnp
from jax import lax
from jax.experimental import pallas as pl
from jax.experimental.pallas import tpu as pltpu
from jax.experimental.pallas import tpu_sc as plsc

N_NODES = 10000
N_EDGES = 160000
C = 128
M0 = 5
MALL = 19
DW = MALL * C
DIST = 128
AEMB = 64
HID = 64
CUTOFF = 12.0
RESCALE = 23.4

NC = 2
NS = 16
NW = NC * NS

GB = 128
NBATCH = N_EDGES // GB
_NB_BASE = NBATCH // NW
_NB_EXTRA = NBATCH - _NB_BASE * NW


def _gather_body(src_tab, tgt_tab, eidx, cat_out,
                 idx_v, rows_s, rows_t, sem):
    c = lax.axis_index("c")
    s = lax.axis_index("s")
    w = s * NC + c
    nb_w = jnp.where(w < _NB_EXTRA, _NB_BASE + 1, _NB_BASE)

    def body(i, _):
        bi = w + NW * i
        pltpu.sync_copy(eidx.at[0, bi], idx_v)
        pltpu.async_copy(src_tab.at[idx_v], rows_s, sem).wait()
        pltpu.sync_copy(rows_s, cat_out.at[pl.ds(bi * GB, GB), pl.ds(0, AEMB)])
        pltpu.sync_copy(eidx.at[1, bi], idx_v)
        pltpu.async_copy(tgt_tab.at[idx_v], rows_t, sem).wait()
        pltpu.sync_copy(rows_t, cat_out.at[pl.ds(bi * GB, GB), pl.ds(AEMB, AEMB)])
        return 0

    lax.fori_loop(0, nb_w, body, 0)


_gather_call = pl.kernel(
    _gather_body,
    out_type=jax.ShapeDtypeStruct((N_EDGES, 2 * AEMB), jnp.float32),
    mesh=plsc.VectorSubcoreMesh(core_axis_name="c", subcore_axis_name="s"),
    scratch_types=[
        pltpu.VMEM((GB,), jnp.int32),
        pltpu.VMEM((GB, AEMB), jnp.float32),
        pltpu.VMEM((GB, AEMB), jnp.float32),
        pltpu.SemaphoreType.DMA,
    ],
    compiler_params=pltpu.CompilerParams(use_tc_tiling_on_sc=False),
)

MPAD = 24
EB = 640
NEB = N_EDGES // EB


def _mlp_body(dist_ref, cat_ref, ed_ref, wig_ref,
              w1_ref, b1_ref, g_ref, bb_ref, w2_ref, b2_ref, out_ref):
    xe = jnp.concatenate([dist_ref[...], cat_ref[...]], axis=1)
    h = jnp.dot(xe, w1_ref[...], preferred_element_type=jnp.float32,
                precision=lax.Precision.HIGHEST) + b1_ref[...]
    mu = jnp.mean(h, axis=1, keepdims=True)
    dlt = h - mu
    var = jnp.mean(dlt * dlt, axis=1, keepdims=True)
    hn = dlt * lax.rsqrt(var + 1e-5) * g_ref[...] + bb_ref[...]
    hs = hn * jax.nn.sigmoid(hn)
    m0 = jnp.dot(hs, w2_ref[...], preferred_element_type=jnp.float32,
                 precision=lax.Precision.HIGHEST) + b2_ref[...]

    d = ed_ref[...] * (1.0 / CUTOFF)
    d2 = d * d
    d5 = d2 * d2 * d
    env = 1.0 - 21.0 * d5 + 35.0 * d5 * d - 15.0 * d5 * d2
    env = jnp.where(d < 1.0, env, jnp.zeros_like(env))
    m0s = m0 * (env * (1.0 / RESCALE))

    wig = wig_ref[...]
    for i in range(MALL):
        wt5 = wig[:, i * MALL:i * MALL + M0]
        acc = None
        for j in range(M0):
            col = wt5[:, j][:, None]
            t = col * m0s[:, j * C:(j + 1) * C]
            acc = t if acc is None else acc + t
        out_ref[:, i, :] = acc


_mlp_call = pl.pallas_call(
    _mlp_body,
    grid=(NEB,),
    in_specs=[
        pl.BlockSpec((EB, DIST), lambda e: (e, 0)),
        pl.BlockSpec((EB, 2 * AEMB), lambda e: (e, 0)),
        pl.BlockSpec((EB, 1), lambda e: (e, 0)),
        pl.BlockSpec((EB, MALL * MALL), lambda e: (e, 0)),
        pl.BlockSpec((DIST + 2 * AEMB, HID), lambda e: (0, 0)),
        pl.BlockSpec((1, HID), lambda e: (0, 0)),
        pl.BlockSpec((1, HID), lambda e: (0, 0)),
        pl.BlockSpec((1, HID), lambda e: (0, 0)),
        pl.BlockSpec((HID, M0 * C), lambda e: (0, 0)),
        pl.BlockSpec((1, M0 * C), lambda e: (0, 0)),
    ],
    out_specs=pl.BlockSpec((EB, MPAD, C), lambda e: (e, 0, 0)),
    out_shape=jax.ShapeDtypeStruct((N_EDGES, MPAD, C), jnp.float32),
)

NCHUNK = 40
CH = N_NODES // NCHUNK
G3 = 16
SCAN = N_EDGES // NS
LISTN = SCAN + G3
_ROWS_T = 15


def _scatter_body(x_hbm, msg_hbm, dst_hbm, out_hbm,
                  acc, dstall, idlist, offlist, stage, sem):
    c = lax.axis_index("c")
    s = lax.axis_index("s")
    ebase = s * SCAN

    def chunk_body(k, _):
        chunk = NC * k + c
        node0 = chunk * CH
        rbase = s * _ROWS_T

        pltpu.sync_copy(x_hbm.at[pl.ds(node0 + rbase, _ROWS_T)],
                        acc.at[pl.ds(rbase, _ROWS_T)])

        @pl.when(s < CH - NS * _ROWS_T)
        def _():
            pltpu.sync_copy(x_hbm.at[pl.ds(node0 + NS * _ROWS_T + s, 1)],
                            acc.at[pl.ds(NS * _ROWS_T + s, 1)])

        plsc.subcore_barrier()

        pltpu.sync_copy(dst_hbm.at[pl.ds(ebase, SCAN)], dstall)

        def scan_body(t, cnt):
            dv = dstall[pl.ds(t * 16, 16)]
            off = dv - node0
            m = (off >= 0) & (off < CH)
            ids = lax.iota(jnp.int32, 16) + (ebase + t * 16)
            mi = m.astype(jnp.int32)
            cs = plsc.cumsum(mi)
            pos = cnt + cs - 1
            plsc.store_scatter(idlist, [pos], ids, mask=m)
            plsc.store_scatter(offlist, [pos], off, mask=m)
            return cnt + cs[15]

        n = lax.fori_loop(0, SCAN // 16, scan_body, 0)

        idlist[pl.ds(n, 16)] = jnp.zeros((16,), jnp.int32)
        offlist[pl.ds(n, 16)] = jnp.full((16,), CH, jnp.int32)
        nbp = (n + (G3 - 1)) // G3

        def proc(j, _):
            idv = idlist[pl.ds(j * G3, G3)]
            offv = offlist[pl.ds(j * G3, G3)]
            pltpu.async_copy(msg_hbm.at[idv], stage, sem).wait()
            pltpu.sync_copy(stage, acc.at[offv], add=True)
            return 0

        lax.fori_loop(0, nbp, proc, 0)
        plsc.subcore_barrier()

        pltpu.sync_copy(acc.at[pl.ds(rbase, _ROWS_T)],
                        out_hbm.at[pl.ds(node0 + rbase, _ROWS_T)])

        @pl.when(s < CH - NS * _ROWS_T)
        def _():
            pltpu.sync_copy(acc.at[pl.ds(NS * _ROWS_T + s, 1)],
                            out_hbm.at[pl.ds(node0 + NS * _ROWS_T + s, 1)])

        plsc.subcore_barrier()
        return 0

    lax.fori_loop(0, NCHUNK // NC, chunk_body, 0)


_scatter_call = pl.kernel(
    _scatter_body,
    out_type=jax.ShapeDtypeStruct((N_NODES, MPAD, C), jnp.float32),
    mesh=plsc.VectorSubcoreMesh(core_axis_name="c", subcore_axis_name="s"),
    scratch_types=[
        pltpu.VMEM_SHARED((CH + 1, MPAD, C), jnp.float32),
        pltpu.VMEM((SCAN,), jnp.int32),
        pltpu.VMEM((LISTN,), jnp.int32),
        pltpu.VMEM((LISTN,), jnp.int32),
        pltpu.VMEM((G3, MPAD, C), jnp.float32),
        pltpu.SemaphoreType.DMA,
    ],
    compiler_params=pltpu.CompilerParams(use_tc_tiling_on_sc=False,
                                         needs_layout_passes=False),
)


def kernel(x, edge_distance_embedding, source_atom_embedding,
           target_atom_embedding, edge_distance, edge_index,
           wigner_and_M_mapping_inv, W1, b1, ln_g, ln_b, W2, b2):
    eidx = edge_index.reshape(2, NBATCH, GB)

    cat_rows = _gather_call(source_atom_embedding,
                            target_atom_embedding, eidx)

    msg = _mlp_call(edge_distance_embedding, cat_rows,
                    edge_distance.reshape(N_EDGES, 1),
                    wigner_and_M_mapping_inv.reshape(N_EDGES, MALL * MALL),
                    W1, b1.reshape(1, HID), ln_g.reshape(1, HID),
                    ln_b.reshape(1, HID), W2, b2.reshape(1, M0 * C))

    x24 = jnp.pad(x, ((0, 0), (0, MPAD - MALL), (0, 0)))
    out = _scatter_call(x24, msg, edge_index[1])
    return out[:, :MALL, :]

# --- scband reference (transcript-rebuilt; emitter-appended) ---
"""Pipeline reference for scband-edge-degree-embedding-40742059770591 (READ-ONLY COPY).

The authoritative reference and input builder live on the scoring server;
editing this copy changes nothing except your own understanding.
"""

import jax, jax.numpy as jnp
import numpy as np

N_NODES = 10000
N_EDGES = 160000
SPHERE_CHANNELS = 128
M0 = 5      # m=0 coefficients for lmax=4
MALL = 19   # total coefficients for lmax=4, mmax=2
DIST_EMB = 128
ATOM_EMB = 64
HIDDEN = 64
CUTOFF = 12.0
RESCALE = 23.4


def _envelope(d):
    p = 5.0
    a = -(p + 1.0) * (p + 2.0) / 2.0
    b = p * (p + 2.0)
    c = -p * (p + 1.0) / 2.0
    val = 1.0 + a * d**p + b * d**(p + 1.0) + c * d**(p + 2.0)
    return jnp.where(d < 1.0, val, jnp.zeros_like(d))


def setup_inputs(seed: int = 0):
    key = jax.random.key(seed)
    ks = jax.random.split(key, 12)
    x = jax.random.normal(ks[0], (N_NODES, MALL, SPHERE_CHANNELS), dtype=jnp.float32)
    edge_distance_embedding = jax.random.normal(ks[1], (N_EDGES, DIST_EMB), dtype=jnp.float32)
    source_atom_embedding = jax.random.normal(ks[2], (N_NODES, ATOM_EMB), dtype=jnp.float32)
    target_atom_embedding = jax.random.normal(ks[3], (N_NODES, ATOM_EMB), dtype=jnp.float32)
    edge_distance = jax.random.uniform(ks[4], (N_EDGES,), dtype=jnp.float32) * CUTOFF * 0.9
    edge_index = jax.random.randint(ks[5], (2, N_EDGES), 0, N_NODES, dtype=jnp.int32)
    wigner_and_M_mapping_inv = jax.random.normal(ks[6], (N_EDGES, MALL, MALL), dtype=jnp.float32) * 0.1
    in_dim = DIST_EMB + 2 * ATOM_EMB
    W1 = jax.random.normal(ks[7], (in_dim, HIDDEN), dtype=jnp.float32) * (1.0 / np.sqrt(in_dim))
    b1 = jnp.zeros((HIDDEN,), dtype=jnp.float32)
    ln_g = jnp.ones((HIDDEN,), dtype=jnp.float32)
    ln_b = jnp.zeros((HIDDEN,), dtype=jnp.float32)
    W2 = jax.random.normal(ks[8], (HIDDEN, M0 * SPHERE_CHANNELS), dtype=jnp.float32) * (1.0 / np.sqrt(HIDDEN))
    b2 = jnp.zeros((M0 * SPHERE_CHANNELS,), dtype=jnp.float32)
    return {"x": x, "edge_distance_embedding": edge_distance_embedding,
            "source_atom_embedding": source_atom_embedding,
            "target_atom_embedding": target_atom_embedding,
            "edge_distance": edge_distance, "edge_index": edge_index,
            "wigner_and_M_mapping_inv": wigner_and_M_mapping_inv,
            "W1": W1, "b1": b1, "ln_g": ln_g, "ln_b": ln_b, "W2": W2, "b2": b2}


def _rad_func(x_edge, W1, b1, ln_g, ln_b, W2, b2):
    h = x_edge @ W1 + b1
    mu = jnp.mean(h, axis=-1, keepdims=True)
    var = jnp.var(h, axis=-1, keepdims=True)
    h = (h - mu) / jnp.sqrt(var + 1e-5) * ln_g + ln_b
    h = h * jax.nn.sigmoid(h)  # SiLU
    return h @ W2 + b2


def reference(x, edge_distance_embedding, source_atom_embedding, target_atom_embedding,
              edge_distance, edge_index, wigner_and_M_mapping_inv,
              W1, b1, ln_g, ln_b, W2, b2):
    src = jnp.take(source_atom_embedding, edge_index[0], axis=0)
    tgt = jnp.take(target_atom_embedding, edge_index[1], axis=0)
    x_edge = jnp.concatenate((edge_distance_embedding, src, tgt), axis=1)
    x_edge_m_0 = _rad_func(x_edge, W1, b1, ln_g, ln_b, W2, b2).reshape(-1, M0, SPHERE_CHANNELS)
    pad = jnp.zeros((x_edge_m_0.shape[0], MALL - M0, SPHERE_CHANNELS), dtype=x_edge_m_0.dtype)
    x_edge_embedding = jnp.concatenate((x_edge_m_0, pad), axis=1)
    x_edge_embedding = jnp.einsum('eij,ejc->eic', wigner_and_M_mapping_inv, x_edge_embedding)
    env = _envelope(edge_distance / CUTOFF)
    x_edge_embedding = x_edge_embedding * env[:, None, None]
    return x.at[edge_index[1]].add(x_edge_embedding / RESCALE)

if __name__ == "__main__":
    import jax
    _d = setup_inputs()
    print(jax.jit(kernel)(*tuple(_d.values())))

</pallas_src>

<mosaic_0001>
#map = affine_map<(d0, d1) -> (0, 0, 0)>
#map1 = affine_map<(d0, d1) -> (0)>
module attributes {stable_mosaic.version = 14 : i64} {
  func.func @_scatter_body(%arg0: i32, %arg1: i32, %arg2: memref<10000x24x128xf32, #tpu.memory_space<hbm>>, %arg3: memref<160000x24x128xf32, #tpu.memory_space<hbm>>, %arg4: memref<160000xi32, #tpu.memory_space<hbm>>, %arg5: memref<10000x24x128xf32, #tpu.memory_space<hbm>>, %arg6: memref<251x24x128xf32, #tpu.memory_space<vmem_shared>>, %arg7: memref<10000xi32, #tpu.memory_space<vmem>>, %arg8: memref<10016xi32, #tpu.memory_space<vmem>>, %arg9: memref<10016xi32, #tpu.memory_space<vmem>>, %arg10: memref<16x24x128xf32, #tpu.memory_space<vmem>>, %arg11: memref<!tpu.dma_semaphore, #tpu.memory_space<semaphore_mem>>) attributes {dimension_semantics = [#tpu.dimension_semantics<core_parallel>, #tpu.dimension_semantics<subcore_parallel>], iteration_bounds = array<i64: 2, 16>, scalar_prefetch = 0 : i64, scratch_operands = 6 : i64, tpu.core_type = #tpu.core_type<sc_vector_subcore>, window_params = [{transform_indices = #map}, {transform_indices = #map}, {transform_indices = #map1}, {transform_indices = #map}]} {
    %mul3A = arith.constant 10000 : i32
    %mul3A_0 = arith.muli %arg1, %mul3A : i32
    %scan3A = arith.constant 0 : i32
    %scan3A_1 = arith.constant 0 : i32
    %scan3A_2 = arith.constant 20 : i32
    %scan3A_3 = arith.addi %scan3A_1, %scan3A_2 : i32
    %scan3A_4 = arith.constant 1 : i32
    %scan3A_5 = scf.for %scan3A_7 = %scan3A_1 to %scan3A_3 step %scan3A_4 iter_args(%scan3A_8 = %scan3A) -> (i32)  : i32 {
      %mul3A_9 = arith.constant 2 : i32
      %mul3A_10 = arith.muli %mul3A_9, %scan3A_7 : i32
      %add3A = arith.addi %mul3A_10, %arg0 : i32
      %mul3A_11 = arith.constant 250 : i32
      %mul3A_12 = arith.muli %add3A, %mul3A_11 : i32
      %mul3A_13 = arith.constant 15 : i32
      %mul3A_14 = arith.muli %arg1, %mul3A_13 : i32
      %add3A_15 = arith.addi %mul3A_12, %mul3A_14 : i32
      "tpu.region"() ({
        %run_scoped3A = tpu.sem_alloc : memref<!tpu.dma_semaphore, #tpu.memory_space<semaphore_mem>>
        %dma_start3A = arith.constant 0 : i32
        %dma_start3A_69 = arith.constant 0 : i32
        %dma_start3A_70 = tpu.memref_slice %arg6[%mul3A_14, %dma_start3A, %dma_start3A_69] : memref<251x24x128xf32, #tpu.memory_space<vmem_shared>> -> memref<15x24x128xf32, #tpu.memory_space<vmem_shared>>
        %dma_start3A_71 = arith.constant 0 : i32
        %dma_start3A_72 = arith.constant 0 : i32
        %dma_start3A_73 = tpu.memref_slice %arg2[%add3A_15, %dma_start3A_71, %dma_start3A_72] : memref<10000x24x128xf32, #tpu.memory_space<hbm>> -> memref<15x24x128xf32, #tpu.memory_space<hbm>>
        tpu.enqueue_dma source(%dma_start3A_73 : memref<15x24x128xf32, #tpu.memory_space<hbm>>) target(%dma_start3A_70 : memref<15x24x128xf32, #tpu.memory_space<vmem_shared>>) target_semaphore(%run_scoped3A : memref<!tpu.dma_semaphore, #tpu.memory_space<semaphore_mem>>)
        %dma_wait3A = arith.constant 0 : i32
        %dma_wait3A_74 = arith.constant 0 : i32
        %dma_wait3A_75 = tpu.memref_slice %arg6[%mul3A_14, %dma_wait3A, %dma_wait3A_74] : memref<251x24x128xf32, #tpu.memory_space<vmem_shared>> -> memref<15x24x128xf32, #tpu.memory_space<vmem_shared>>
        %dma_wait3A_76 = arith.constant 0 : i32
        %dma_wait3A_77 = arith.constant 0 : i32
        %dma_wait3A_78 = tpu.memref_slice %arg2[%add3A_15, %dma_wait3A_76, %dma_wait3A_77] : memref<10000x24x128xf32, #tpu.memory_space<hbm>> -> memref<15x24x128xf32, #tpu.memory_space<hbm>>
        tpu.wait_dma2 semaphore(%run_scoped3A : memref<!tpu.dma_semaphore, #tpu.memory_space<semaphore_mem>>) src(%dma_wait3A_78 : memref<15x24x128xf32, #tpu.memory_space<hbm>>) dst(%dma_wait3A_75 : memref<15x24x128xf32, #tpu.memory_space<vmem_shared>>)
        tpu.yield
      }) : () -> ()
      %lt3A = arith.constant 10 : i32
      %lt3A_16 = arith.cmpi slt, %arg1, %lt3A : i32
      %convert_element_type3A = arith.extui %lt3A_16 : i1 to i32
      %cond3A = arith.constant 0 : i32
      %cond3A_17 = arith.cmpi ne, %convert_element_type3A, %cond3A : i32
      scf.if %cond3A_17 {
        %add3A_69 = arith.constant 240 : i32
        %add3A_70 = arith.addi %mul3A_12, %add3A_69 : i32
        %add3A_71 = arith.addi %add3A_70, %arg1 : i32
        %add3A_72 = arith.constant 240 : i32
        %add3A_73 = arith.addi %add3A_72, %arg1 : i32
        "tpu.region"() ({
          %run_scoped3A = tpu.sem_alloc : memref<!tpu.dma_semaphore, #tpu.memory_space<semaphore_mem>>
          %dma_start3A = arith.constant 0 : i32
          %dma_start3A_74 = arith.constant 0 : i32
          %dma_start3A_75 = tpu.memref_slice %arg6[%add3A_73, %dma_start3A, %dma_start3A_74] : memref<251x24x128xf32, #tpu.memory_space<vmem_shared>> -> memref<1x24x128xf32, #tpu.memory_space<vmem_shared>>
          %dma_start3A_76 = arith.constant 0 : i32
          %dma_start3A_77 = arith.constant 0 : i32
          %dma_start3A_78 = tpu.memref_slice %arg2[%add3A_71, %dma_start3A_76, %dma_start3A_77] : memref<10000x24x128xf32, #tpu.memory_space<hbm>> -> memref<1x24x128xf32, #tpu.memory_space<hbm>>
          tpu.enqueue_dma source(%dma_start3A_78 : memref<1x24x128xf32, #tpu.memory_space<hbm>>) target(%dma_start3A_75 : memref<1x24x128xf32, #tpu.memory_space<vmem_shared>>) target_semaphore(%run_scoped3A : memref<!tpu.dma_semaphore, #tpu.memory_space<semaphore_mem>>)
          %dma_wait3A = arith.constant 0 : i32
          %dma_wait3A_79 = arith.constant 0 : i32
          %dma_wait3A_80 = tpu.memref_slice %arg6[%add3A_73, %dma_wait3A, %dma_wait3A_79] : memref<251x24x128xf32, #tpu.memory_space<vmem_shared>> -> memref<1x24x128xf32, #tpu.memory_space<vmem_shared>>
          %dma_wait3A_81 = arith.constant 0 : i32
          %dma_wait3A_82 = arith.constant 0 : i32
          %dma_wait3A_83 = tpu.memref_slice %arg2[%add3A_71, %dma_wait3A_81, %dma_wait3A_82] : memref<10000x24x128xf32, #tpu.memory_space<hbm>> -> memref<1x24x128xf32, #tpu.memory_space<hbm>>
          tpu.wait_dma2 semaphore(%run_scoped3A : memref<!tpu.dma_semaphore, #tpu.memory_space<semaphore_mem>>) src(%dma_wait3A_83 : memref<1x24x128xf32, #tpu.memory_space<hbm>>) dst(%dma_wait3A_80 : memref<1x24x128xf32, #tpu.memory_space<vmem_shared>>)
          tpu.yield
        }) : () -> ()
      } else {
      }
      %barrier3A = arith.constant 0 : index
      tpu.barrier barrier_id(%barrier3A)
      "tpu.region"() ({
        %run_scoped3A = tpu.sem_alloc : memref<!tpu.dma_semaphore, #tpu.memory_space<semaphore_mem>>
        %dma_start3A = tpu.memref_slice %arg4[%mul3A_0] : memref<160000xi32, #tpu.memory_space<hbm>> -> memref<10000xi32, #tpu.memory_space<hbm>>
        %dma_start3A_69 = tpu.memref_slice %arg4[%mul3A_0] : memref<160000xi32, #tpu.memory_space<hbm>> -> memref<10000xi32, #tpu.memory_space<hbm>>
        tpu.enqueue_dma source(%dma_start3A_69 : memref<10000xi32, #tpu.memory_space<hbm>>) target(%arg7 : memref<10000xi32, #tpu.memory_space<vmem>>) target_semaphore(%run_scoped3A : memref<!tpu.dma_semaphore, #tpu.memory_space<semaphore_mem>>)
        %dma_wait3A = tpu.memref_slice %arg4[%mul3A_0] : memref<160000xi32, #tpu.memory_space<hbm>> -> memref<10000xi32, #tpu.memory_space<hbm>>
        %dma_wait3A_70 = tpu.memref_slice %arg4[%mul3A_0] : memref<160000xi32, #tpu.memory_space<hbm>> -> memref<10000xi32, #tpu.memory_space<hbm>>
        tpu.wait_dma2 semaphore(%run_scoped3A : memref<!tpu.dma_semaphore, #tpu.memory_space<semaphore_mem>>) src(%dma_wait3A_70 : memref<10000xi32, #tpu.memory_space<hbm>>) dst(%arg7 : memref<10000xi32, #tpu.memory_space<vmem>>)
        tpu.yield
      }) : () -> ()
      %scan3A_18 = arith.constant 0 : i32
      %scan3A_19 = arith.constant 0 : i32
      %scan3A_20 = arith.constant 625 : i32
      %scan3A_21 = arith.addi %scan3A_19, %scan3A_20 : i32
      %scan3A_22 = arith.constant 1 : i32
      %scan3A_23 = scf.for %scan3A_69 = %scan3A_19 to %scan3A_21 step %scan3A_22 iter_args(%scan3A_70 = %scan3A_18) -> (i32)  : i32 {
        %mul3A_71 = arith.constant 16 : i32
        %mul3A_72 = arith.muli %scan3A_69, %mul3A_71 : i32
        %get3A = arith.index_cast %mul3A_72 : i32 to index
        %get3A_73 = tpu.vector_load %arg7[%get3A] {strides = array<i32>} : memref<10000xi32, #tpu.memory_space<vmem>>, vector<16xi32>,
        %sub3A_74 = vector.broadcast %mul3A_12 : i32 to vector<16xi32>
        %sub3A_75 = arith.subi %get3A_73, %sub3A_74 : vector<16xi32>
        %ge3A = arith.constant 0 : i32
        %ge3A_76 = vector.broadcast %ge3A : i32 to vector<16xi32>
        %ge3A_77 = arith.cmpi sge, %sub3A_75, %ge3A_76 : vector<16xi32>
        %lt3A_78 = arith.constant 250 : i32
        %lt3A_79 = vector.broadcast %lt3A_78 : i32 to vector<16xi32>
        %lt3A_80 = arith.cmpi slt, %sub3A_75, %lt3A_79 : vector<16xi32>
        %and3A_81 = arith.andi %ge3A_77, %lt3A_80 : vector<16xi1>
        %iota3A = tpu.iota {dimensions = array<i32: 0>} : vector<16xi32>
        %mul3A_82 = arith.constant 16 : i32
        %mul3A_83 = arith.muli %scan3A_69, %mul3A_82 : i32
        %add3A_84 = arith.addi %mul3A_0, %mul3A_83 : i32
        %add3A_85 = vector.broadcast %add3A_84 : i32 to vector<16xi32>
        %add3A_86 = arith.addi %iota3A, %add3A_85 : vector<16xi32>
        %convert_element_type3A_87 = arith.extui %and3A_81 : vector<16xi1> to vector<16xi32>
        %broadcast_in_dim3A_88 = arith.constant true
        %broadcast_in_dim3A_89 = vector.broadcast %broadcast_in_dim3A_88 : i1 to vector<16xi1>
        %masked_cumsum3A = tpu.scan <sum>, %convert_element_type3A_87 masked %broadcast_in_dim3A_89 : vector<16xi32>, vector<16xi1> -> vector<16xi32>
        %add3A_90 = vector.broadcast %scan3A_70 : i32 to vector<16xi32>
        %add3A_91 = arith.addi %add3A_90, %masked_cumsum3A : vector<16xi32>
        %sub3A_92 = arith.constant 1 : i32
        %sub3A_93 = vector.broadcast %sub3A_92 : i32 to vector<16xi32>
        %sub3A_94 = arith.subi %add3A_91, %sub3A_93 : vector<16xi32>
        tpu.vector_store_idx %arg8[%sub3A_94], %add3A_86 masked %and3A_81 : memref<10016xi32, #tpu.memory_space<vmem>>[vector<16xi32>], vector<16xi32>, vector<16xi1>
        tpu.vector_store_idx %arg9[%sub3A_94], %sub3A_75 masked %and3A_81 : memref<10016xi32, #tpu.memory_space<vmem>>[vector<16xi32>], vector<16xi32>, vector<16xi1>
        %slice3A = vector.extract_strided_slice %masked_cumsum3A {offsets = [15], sizes = [1], strides = [1]} : vector<16xi32> to vector<1xi32>
        %squeeze3A = vector.extract %slice3A[0] : i32 from vector<1xi32>
        %add3A_95 = arith.addi %scan3A_70, %squeeze3A : i32
        scf.yield %add3A_95 : i32
      }
      %scan3A_24 = arith.constant 625 : i32
      %broadcast_in_dim3A = arith.constant 0 : i32
      %broadcast_in_dim3A_25 = vector.broadcast %broadcast_in_dim3A : i32 to vector<16xi32>
      %swap3A = arith.index_cast %scan3A_23 : i32 to index
      %swap3A_26 = tpu.vector_load %arg8[%swap3A] {strides = array<i32>} : memref<10016xi32, #tpu.memory_space<vmem>>, vector<16xi32>,
      tpu.vector_store %arg8[%swap3A], %broadcast_in_dim3A_25 {strides = array<i32>} : memref<10016xi32, #tpu.memory_space<vmem>>, vector<16xi32>,
      %broadcast_in_dim3A_27 = arith.constant 250 : i32
      %broadcast_in_dim3A_28 = vector.broadcast %broadcast_in_dim3A_27 : i32 to vector<16xi32>
      %swap3A_29 = arith.index_cast %scan3A_23 : i32 to index
      %swap3A_30 = tpu.vector_load %arg9[%swap3A_29] {strides = array<i32>} : memref<10016xi32, #tpu.memory_space<vmem>>, vector<16xi32>,
      tpu.vector_store %arg9[%swap3A_29], %broadcast_in_dim3A_28 {strides = array<i32>} : memref<10016xi32, #tpu.memory_space<vmem>>, vector<16xi32>,
      %add3A_31 = arith.constant 15 : i32
      %add3A_32 = arith.addi %scan3A_23, %add3A_31 : i32
      %jit3A = arith.constant 16 : i32
      %div3A = arith.divsi %add3A_32, %jit3A : i32
      %sign3A = arith.constant 0 : i32
      %sign3A_33 = arith.cmpi sgt, %add3A_32, %sign3A : i32
      %sign3A_34 = arith.extui %sign3A_33 : i1 to i32
      %sign3A_35 = arith.constant 0 : i32
      %sign3A_36 = arith.cmpi slt, %add3A_32, %sign3A_35 : i32
      %sign3A_37 = arith.extui %sign3A_36 : i1 to i32
      %sign3A_38 = arith.subi %sign3A_34, %sign3A_37 : i32
      %sign3A_39 = arith.constant 0 : i32
      %sign3A_40 = arith.cmpi sgt, %jit3A, %sign3A_39 : i32
      %sign3A_41 = arith.extui %sign3A_40 : i1 to i32
      %sign3A_42 = arith.constant 0 : i32
      %sign3A_43 = arith.cmpi slt, %jit3A, %sign3A_42 : i32
      %sign3A_44 = arith.extui %sign3A_43 : i1 to i32
      %sign3A_45 = arith.subi %sign3A_41, %sign3A_44 : i32
      %ne3A = arith.cmpi ne, %sign3A_38, %sign3A_45 : i32
      %rem3A = arith.remsi %add3A_32, %jit3A : i32
      %ne3A_46 = arith.constant 0 : i32
      %ne3A_47 = arith.cmpi ne, %rem3A, %ne3A_46 : i32
      %and3A = arith.andi %ne3A, %ne3A_47 : i1
      %sub3A = arith.constant 1 : i32
      %sub3A_48 = arith.subi %div3A, %sub3A : i32
      %select_n3A = arith.select %and3A, %sub3A_48, %div3A : i32
      %while3A = arith.constant 0 : i32
      %while3A_49 = arith.constant 0 : i32
      %while3A_50 = arith.subi %select_n3A, %while3A : i32
      %while3A_51 = arith.addi %while3A, %while3A_50 : i32
      %while3A_52 = arith.constant 1 : i32
      %while3A_53 = arith.divsi %while3A_50, %while3A_52 : i32
      %while3A_54 = arith.muli %while3A_53, %while3A_52 : i32
      %while3A_55 = arith.addi %while3A, %while3A_54 : i32
      %while3A_56 = arith.constant 1 : i32
      %while3A_57 = scf.for %while3A_69 = %while3A to %while3A_55 step %while3A_56 iter_args(%while3A_70 = %while3A_49) -> (i32)  : i32 {
        %mul3A_71 = arith.constant 16 : i32
        %mul3A_72 = arith.muli %while3A_69, %mul3A_71 : i32
        %get3A = arith.index_cast %mul3A_72 : i32 to index
        %get3A_73 = tpu.vector_load %arg8[%get3A] {strides = array<i32>} : memref<10016xi32, #tpu.memory_space<vmem>>, vector<16xi32>,
        %mul3A_74 = arith.constant 16 : i32
        %mul3A_75 = arith.muli %while3A_69, %mul3A_74 : i32
        %get3A_76 = arith.index_cast %mul3A_75 : i32 to index
        %get3A_77 = tpu.vector_load %arg9[%get3A_76] {strides = array<i32>} : memref<10016xi32, #tpu.memory_space<vmem>>, vector<16xi32>,
        %dma_start3A = arith.constant 0 : i32
        %dma_start3A_78 = arith.constant 0 : i32
        %dma_start3A_79 = arith.constant 0 : i32
        %dma_start3A_80 = tpu.memref_slice %arg3[%dma_start3A, %dma_start3A_78, %dma_start3A_79] : memref<160000x24x128xf32, #tpu.memory_space<hbm>> -> memref<160000x24x128xf32, #tpu.memory_space<hbm>>
        tpu.enqueue_indirect_dma source(%dma_start3A_80 : memref<160000x24x128xf32, #tpu.memory_space<hbm>>) target(%arg10 : memref<16x24x128xf32, #tpu.memory_space<vmem>>) offsets(%get3A_73 : vector<16xi32>) semaphore(%arg11 : memref<!tpu.dma_semaphore, #tpu.memory_space<semaphore_mem>>)
        %dma_wait3A = arith.constant 0 : i32
        %dma_wait3A_81 = arith.constant 0 : i32
        %dma_wait3A_82 = arith.constant 0 : i32
        %dma_wait3A_83 = tpu.memref_slice %arg3[%dma_wait3A, %dma_wait3A_81, %dma_wait3A_82] : memref<160000x24x128xf32, #tpu.memory_space<hbm>> -> memref<160000x24x128xf32, #tpu.memory_space<hbm>>
        tpu.wait_indirect_dma semaphore(%arg11 : memref<!tpu.dma_semaphore, #tpu.memory_space<semaphore_mem>>) src(%dma_wait3A_83 : memref<160000x24x128xf32, #tpu.memory_space<hbm>>) dst(%arg10 : memref<16x24x128xf32, #tpu.memory_space<vmem>>)
        "tpu.region"() ({
          %run_scoped3A = tpu.sem_alloc : memref<!tpu.dma_semaphore, #tpu.memory_space<semaphore_mem>>
          %dma_start3A_85 = arith.constant 0 : i32
          %dma_start3A_86 = arith.constant 0 : i32
          %dma_start3A_87 = arith.constant 0 : i32
          %dma_start3A_88 = tpu.memref_slice %arg6[%dma_start3A_85, %dma_start3A_86, %dma_start3A_87] : memref<251x24x128xf32, #tpu.memory_space<vmem_shared>> -> memref<251x24x128xf32, #tpu.memory_space<vmem_shared>>
          tpu.enqueue_indirect_dma source(%arg10 : memref<16x24x128xf32, #tpu.memory_space<vmem>>) target(%dma_start3A_88 : memref<251x24x128xf32, #tpu.memory_space<vmem_shared>>) offsets(%get3A_77 : vector<16xi32>) semaphore(%run_scoped3A : memref<!tpu.dma_semaphore, #tpu.memory_space<semaphore_mem>>) {add = true}
          %dma_wait3A_89 = arith.constant 0 : i32
          %dma_wait3A_90 = arith.constant 0 : i32
          %dma_wait3A_91 = arith.constant 0 : i32
          %dma_wait3A_92 = tpu.memref_slice %arg6[%dma_wait3A_89, %dma_wait3A_90, %dma_wait3A_91] : memref<251x24x128xf32, #tpu.memory_space<vmem_shared>> -> memref<251x24x128xf32, #tpu.memory_space<vmem_shared>>
          tpu.wait_indirect_dma semaphore(%run_scoped3A : memref<!tpu.dma_semaphore, #tpu.memory_space<semaphore_mem>>) src(%arg10 : memref<16x24x128xf32, #tpu.memory_space<vmem>>) dst(%dma_wait3A_92 : memref<251x24x128xf32, #tpu.memory_space<vmem_shared>>)
          tpu.yield
        }) : () -> ()
        %while3A_84 = arith.constant 0 : i32
        scf.yield %while3A_84 : i32
      }
      %while3A_58 = arith.constant 1 : i32
      %while3A_59 = scf.for %while3A_69 = %while3A_55 to %while3A_51 step %while3A_58 iter_args(%while3A_70 = %while3A_57) -> (i32)  : i32 {
        %mul3A_71 = arith.constant 16 : i32
        %mul3A_72 = arith.muli %while3A_69, %mul3A_71 : i32
        %get3A = arith.index_cast %mul3A_72 : i32 to index
        %get3A_73 = tpu.vector_load %arg8[%get3A] {strides = array<i32>} : memref<10016xi32, #tpu.memory_space<vmem>>, vector<16xi32>,
        %mul3A_74 = arith.constant 16 : i32
        %mul3A_75 = arith.muli %while3A_69, %mul3A_74 : i32
        %get3A_76 = arith.index_cast %mul3A_75 : i32 to index
        %get3A_77 = tpu.vector_load %arg9[%get3A_76] {strides = array<i32>} : memref<10016xi32, #tpu.memory_space<vmem>>, vector<16xi32>,
        %dma_start3A = arith.constant 0 : i32
        %dma_start3A_78 = arith.constant 0 : i32
        %dma_start3A_79 = arith.constant 0 : i32
        %dma_start3A_80 = tpu.memref_slice %arg3[%dma_start3A, %dma_start3A_78, %dma_start3A_79] : memref<160000x24x128xf32, #tpu.memory_space<hbm>> -> memref<160000x24x128xf32, #tpu.memory_space<hbm>>
        tpu.enqueue_indirect_dma source(%dma_start3A_80 : memref<160000x24x128xf32, #tpu.memory_space<hbm>>) target(%arg10 : memref<16x24x128xf32, #tpu.memory_space<vmem>>) offsets(%get3A_73 : vector<16xi32>) semaphore(%arg11 : memref<!tpu.dma_semaphore, #tpu.memory_space<semaphore_mem>>)
        %dma_wait3A = arith.constant 0 : i32
        %dma_wait3A_81 = arith.constant 0 : i32
        %dma_wait3A_82 = arith.constant 0 : i32
        %dma_wait3A_83 = tpu.memref_slice %arg3[%dma_wait3A, %dma_wait3A_81, %dma_wait3A_82] : memref<160000x24x128xf32, #tpu.memory_space<hbm>> -> memref<160000x24x128xf32, #tpu.memory_space<hbm>>
        tpu.wait_indirect_dma semaphore(%arg11 : memref<!tpu.dma_semaphore, #tpu.memory_space<semaphore_mem>>) src(%dma_wait3A_83 : memref<160000x24x128xf32, #tpu.memory_space<hbm>>) dst(%arg10 : memref<16x24x128xf32, #tpu.memory_space<vmem>>)
        "tpu.region"() ({
          %run_scoped3A = tpu.sem_alloc : memref<!tpu.dma_semaphore, #tpu.memory_space<semaphore_mem>>
          %dma_start3A_85 = arith.constant 0 : i32
          %dma_start3A_86 = arith.constant 0 : i32
          %dma_start3A_87 = arith.constant 0 : i32
          %dma_start3A_88 = tpu.memref_slice %arg6[%dma_start3A_85, %dma_start3A_86, %dma_start3A_87] : memref<251x24x128xf32, #tpu.memory_space<vmem_shared>> -> memref<251x24x128xf32, #tpu.memory_space<vmem_shared>>
          tpu.enqueue_indirect_dma source(%arg10 : memref<16x24x128xf32, #tpu.memory_space<vmem>>) target(%dma_start3A_88 : memref<251x24x128xf32, #tpu.memory_space<vmem_shared>>) offsets(%get3A_77 : vector<16xi32>) semaphore(%run_scoped3A : memref<!tpu.dma_semaphore, #tpu.memory_space<semaphore_mem>>) {add = true}
          %dma_wait3A_89 = arith.constant 0 : i32
          %dma_wait3A_90 = arith.constant 0 : i32
          %dma_wait3A_91 = arith.constant 0 : i32
          %dma_wait3A_92 = tpu.memref_slice %arg6[%dma_wait3A_89, %dma_wait3A_90, %dma_wait3A_91] : memref<251x24x128xf32, #tpu.memory_space<vmem_shared>> -> memref<251x24x128xf32, #tpu.memory_space<vmem_shared>>
          tpu.wait_indirect_dma semaphore(%run_scoped3A : memref<!tpu.dma_semaphore, #tpu.memory_space<semaphore_mem>>) src(%arg10 : memref<16x24x128xf32, #tpu.memory_space<vmem>>) dst(%dma_wait3A_92 : memref<251x24x128xf32, #tpu.memory_space<vmem_shared>>)
          tpu.yield
        }) : () -> ()
        %while3A_84 = arith.constant 0 : i32
        scf.yield %while3A_84 : i32
      }
      %barrier3A_60 = arith.constant 0 : index
      tpu.barrier barrier_id(%barrier3A_60)
      %add3A_61 = arith.addi %mul3A_12, %mul3A_14 : i32
      "tpu.region"() ({
        %run_scoped3A = tpu.sem_alloc : memref<!tpu.dma_semaphore, #tpu.memory_space<semaphore_mem>>
        %dma_start3A = arith.constant 0 : i32
        %dma_start3A_69 = arith.constant 0 : i32
        %dma_start3A_70 = tpu.memref_slice %arg5[%add3A_61, %dma_start3A, %dma_start3A_69] : memref<10000x24x128xf32, #tpu.memory_space<hbm>> -> memref<15x24x128xf32, #tpu.memory_space<hbm>>
        %dma_start3A_71 = arith.constant 0 : i32
        %dma_start3A_72 = arith.constant 0 : i32
        %dma_start3A_73 = tpu.memref_slice %arg6[%mul3A_14, %dma_start3A_71, %dma_start3A_72] : memref<251x24x128xf32, #tpu.memory_space<vmem_shared>> -> memref<15x24x128xf32, #tpu.memory_space<vmem_shared>>
        tpu.enqueue_dma source(%dma_start3A_73 : memref<15x24x128xf32, #tpu.memory_space<vmem_shared>>) target(%dma_start3A_70 : memref<15x24x128xf32, #tpu.memory_space<hbm>>) target_semaphore(%run_scoped3A : memref<!tpu.dma_semaphore, #tpu.memory_space<semaphore_mem>>)
        %dma_wait3A = arith.constant 0 : i32
        %dma_wait3A_74 = arith.constant 0 : i32
        %dma_wait3A_75 = tpu.memref_slice %arg5[%add3A_61, %dma_wait3A, %dma_wait3A_74] : memref<10000x24x128xf32, #tpu.memory_space<hbm>> -> memref<15x24x128xf32, #tpu.memory_space<hbm>>
        %dma_wait3A_76 = arith.constant 0 : i32
        %dma_wait3A_77 = arith.constant 0 : i32
        %dma_wait3A_78 = tpu.memref_slice %arg6[%mul3A_14, %dma_wait3A_76, %dma_wait3A_77] : memref<251x24x128xf32, #tpu.memory_space<vmem_shared>> -> memref<15x24x128xf32, #tpu.memory_space<vmem_shared>>
        tpu.wait_dma2 semaphore(%run_scoped3A : memref<!tpu.dma_semaphore, #tpu.memory_space<semaphore_mem>>) src(%dma_wait3A_78 : memref<15x24x128xf32, #tpu.memory_space<vmem_shared>>) dst(%dma_wait3A_75 : memref<15x24x128xf32, #tpu.memory_space<hbm>>)
        tpu.yield
      }) : () -> ()
      %lt3A_62 = arith.constant 10 : i32
      %lt3A_63 = arith.cmpi slt, %arg1, %lt3A_62 : i32
      %convert_element_type3A_64 = arith.extui %lt3A_63 : i1 to i32
      %cond3A_65 = arith.constant 0 : i32
      %cond3A_66 = arith.cmpi ne, %convert_element_type3A_64, %cond3A_65 : i32
      scf.if %cond3A_66 {
        %add3A_69 = arith.constant 240 : i32
        %add3A_70 = arith.addi %add3A_69, %arg1 : i32
        %add3A_71 = arith.constant 240 : i32
        %add3A_72 = arith.addi %mul3A_12, %add3A_71 : i32
        %add3A_73 = arith.addi %add3A_72, %arg1 : i32
        "tpu.region"() ({
          %run_scoped3A = tpu.sem_alloc : memref<!tpu.dma_semaphore, #tpu.memory_space<semaphore_mem>>
          %dma_start3A = arith.constant 0 : i32
          %dma_start3A_74 = arith.constant 0 : i32
          %dma_start3A_75 = tpu.memref_slice %arg5[%add3A_73, %dma_start3A, %dma_start3A_74] : memref<10000x24x128xf32, #tpu.memory_space<hbm>> -> memref<1x24x128xf32, #tpu.memory_space<hbm>>
          %dma_start3A_76 = arith.constant 0 : i32
          %dma_start3A_77 = arith.constant 0 : i32
          %dma_start3A_78 = tpu.memref_slice %arg6[%add3A_70, %dma_start3A_76, %dma_start3A_77] : memref<251x24x128xf32, #tpu.memory_space<vmem_shared>> -> memref<1x24x128xf32, #tpu.memory_space<vmem_shared>>
          tpu.enqueue_dma source(%dma_start3A_78 : memref<1x24x128xf32, #tpu.memory_space<vmem_shared>>) target(%dma_start3A_75 : memref<1x24x128xf32, #tpu.memory_space<hbm>>) target_semaphore(%run_scoped3A : memref<!tpu.dma_semaphore, #tpu.memory_space<semaphore_mem>>)
          %dma_wait3A = arith.constant 0 : i32
          %dma_wait3A_79 = arith.constant 0 : i32
          %dma_wait3A_80 = tpu.memref_slice %arg5[%add3A_73, %dma_wait3A, %dma_wait3A_79] : memref<10000x24x128xf32, #tpu.memory_space<hbm>> -> memref<1x24x128xf32, #tpu.memory_space<hbm>>
          %dma_wait3A_81 = arith.constant 0 : i32
          %dma_wait3A_82 = arith.constant 0 : i32
          %dma_wait3A_83 = tpu.memref_slice %arg6[%add3A_70, %dma_wait3A_81, %dma_wait3A_82] : memref<251x24x128xf32, #tpu.memory_space<vmem_shared>> -> memref<1x24x128xf32, #tpu.memory_space<vmem_shared>>
          tpu.wait_dma2 semaphore(%run_scoped3A : memref<!tpu.dma_semaphore, #tpu.memory_space<semaphore_mem>>) src(%dma_wait3A_83 : memref<1x24x128xf32, #tpu.memory_space<vmem_shared>>) dst(%dma_wait3A_80 : memref<1x24x128xf32, #tpu.memory_space<hbm>>)
          tpu.yield
        }) : () -> ()
      } else {
      }
      %barrier3A_67 = arith.constant 0 : index
      tpu.barrier barrier_id(%barrier3A_67)
      %scan3A_68 = arith.constant 0 : i32
      scf.yield %scan3A_68 : i32
    }
    %scan3A_6 = arith.constant 20 : i32
    return
  }
}

#map = affine_map<(d0, d1) -> (0, 0)>
#map1 = affine_map<(d0, d1) -> (0, 0, 0)>
module attributes {stable_mosaic.version = 14 : i64} {
  func.func @_gather_body(%arg0: i32, %arg1: i32, %arg2: memref<10000x64xf32, #tpu.memory_space<hbm>>, %arg3: memref<10000x64xf32, #tpu.memory_space<hbm>>, %arg4: memref<2x1250x128xi32, #tpu.memory_space<hbm>>, %arg5: memref<160000x128xf32, #tpu.memory_space<hbm>>, %arg6: memref<128xi32, #tpu.memory_space<vmem>>, %arg7: memref<128x64xf32, #tpu.memory_space<vmem>>, %arg8: memref<128x64xf32, #tpu.memory_space<vmem>>, %arg9: memref<!tpu.dma_semaphore, #tpu.memory_space<semaphore_mem>>) attributes {dimension_semantics = [#tpu.dimension_semantics<core_parallel>, #tpu.dimension_semantics<subcore_parallel>], iteration_bounds = array<i64: 2, 16>, scalar_prefetch = 0 : i64, scratch_operands = 4 : i64, tpu.core_type = #tpu.core_type<sc_vector_subcore>, window_params = [{transform_indices = #map}, {transform_indices = #map}, {transform_indices = #map1}, {transform_indices = #map}]} {
    %mul3A = arith.constant 2 : i32
    %mul3A_0 = arith.muli %arg1, %mul3A : i32
    %add3A = arith.addi %mul3A_0, %arg0 : i32
    %lt3A = arith.constant 2 : i32
    %lt3A_1 = arith.cmpi slt, %add3A, %lt3A : i32
    %jit3A = arith.constant 40 : i32
    %jit3A_2 = arith.constant 39 : i32
    %select_n3A = arith.select %lt3A_1, %jit3A, %jit3A_2 : i32
    %while3A = arith.constant 0 : i32
    %while3A_3 = arith.constant 0 : i32
    %while3A_4 = arith.subi %select_n3A, %while3A : i32
    %while3A_5 = arith.addi %while3A, %while3A_4 : i32
    %while3A_6 = arith.constant 1 : i32
    %while3A_7 = arith.divsi %while3A_4, %while3A_6 : i32
    %while3A_8 = arith.muli %while3A_7, %while3A_6 : i32
    %while3A_9 = arith.addi %while3A, %while3A_8 : i32
    %while3A_10 = arith.constant 1 : i32
    %while3A_11 = scf.for %while3A_14 = %while3A to %while3A_9 step %while3A_10 iter_args(%while3A_15 = %while3A_3) -> (i32)  : i32 {
      %mul3A_16 = arith.constant 32 : i32
      %mul3A_17 = arith.muli %mul3A_16, %while3A_14 : i32
      %add3A_18 = arith.addi %add3A, %mul3A_17 : i32
      %run_scoped3A = arith.constant 0 : i32
      "tpu.region"() ({
        %run_scoped3A_35 = tpu.sem_alloc : memref<!tpu.dma_semaphore, #tpu.memory_space<semaphore_mem>>
        %dma_start3A_36 = arith.constant 0 : i32
        %dma_start3A_37 = tpu.memref_slice %arg4[%run_scoped3A, %add3A_18, %dma_start3A_36] : memref<2x1250x128xi32, #tpu.memory_space<hbm>> -> memref<1x1x128xi32, #tpu.memory_space<hbm>>
        %dma_start3A_38 = tpu.memref_squeeze %dma_start3A_37 : memref<1x1x128xi32, #tpu.memory_space<hbm>> -> memref<128xi32, #tpu.memory_space<hbm>>
        %dma_start3A_39 = arith.constant 0 : i32
        %dma_start3A_40 = tpu.memref_slice %arg4[%run_scoped3A, %add3A_18, %dma_start3A_39] : memref<2x1250x128xi32, #tpu.memory_space<hbm>> -> memref<1x1x128xi32, #tpu.memory_space<hbm>>
        %dma_start3A_41 = tpu.memref_squeeze %dma_start3A_40 : memref<1x1x128xi32, #tpu.memory_space<hbm>> -> memref<128xi32, #tpu.memory_space<hbm>>
        tpu.enqueue_dma source(%dma_start3A_41 : memref<128xi32, #tpu.memory_space<hbm>>) target(%arg6 : memref<128xi32, #tpu.memory_space<vmem>>) target_semaphore(%run_scoped3A_35 : memref<!tpu.dma_semaphore, #tpu.memory_space<semaphore_mem>>)
        %dma_wait3A_42 = arith.constant 0 : i32
        %dma_wait3A_43 = tpu.memref_slice %arg4[%run_scoped3A, %add3A_18, %dma_wait3A_42] : memref<2x1250x128xi32, #tpu.memory_space<hbm>> -> memref<1x1x128xi32, #tpu.memory_space<hbm>>
        %dma_wait3A_44 = tpu.memref_squeeze %dma_wait3A_43 : memref<1x1x128xi32, #tpu.memory_space<hbm>> -> memref<128xi32, #tpu.memory_space<hbm>>
        %dma_wait3A_45 = arith.constant 0 : i32
        %dma_wait3A_46 = tpu.memref_slice %arg4[%run_scoped3A, %add3A_18, %dma_wait3A_45] : memref<2x1250x128xi32, #tpu.memory_space<hbm>> -> memref<1x1x128xi32, #tpu.memory_space<hbm>>
        %dma_wait3A_47 = tpu.memref_squeeze %dma_wait3A_46 : memref<1x1x128xi32, #tpu.memory_space<hbm>> -> memref<128xi32, #tpu.memory_space<hbm>>
        tpu.wait_dma2 semaphore(%run_scoped3A_35 : memref<!tpu.dma_semaphore, #tpu.memory_space<semaphore_mem>>) src(%dma_wait3A_47 : memref<128xi32, #tpu.memory_space<hbm>>) dst(%arg6 : memref<128xi32, #tpu.memory_space<vmem>>)
        tpu.yield
      }) : () -> ()
      %dma_start3A = arith.constant 0 : i32
      %dma_start3A_19 = arith.constant 0 : i32
      %dma_start3A_20 = tpu.memref_slice %arg2[%dma_start3A, %dma_start3A_19] : memref<10000x64xf32, #tpu.memory_space<hbm>> -> memref<10000x64xf32, #tpu.memory_space<hbm>>
      tpu.enqueue_indirect_dma source(%dma_start3A_20 : memref<10000x64xf32, #tpu.memory_space<hbm>>) target(%arg7 : memref<128x64xf32, #tpu.memory_space<vmem>>) offsets(%arg6 : memref<128xi32, #tpu.memory_space<vmem>>) semaphore(%arg9 : memref<!tpu.dma_semaphore, #tpu.memory_space<semaphore_mem>>)
      %dma_wait3A = arith.constant 0 : i32
      %dma_wait3A_21 = arith.constant 0 : i32
      %dma_wait3A_22 = tpu.memref_slice %arg2[%dma_wait3A, %dma_wait3A_21] : memref<10000x64xf32, #tpu.memory_space<hbm>> -> memref<10000x64xf32, #tpu.memory_space<hbm>>
      tpu.wait_indirect_dma semaphore(%arg9 : memref<!tpu.dma_semaphore, #tpu.memory_space<semaphore_mem>>) src(%dma_wait3A_22 : memref<10000x64xf32, #tpu.memory_space<hbm>>) dst(%arg7 : memref<128x64xf32, #tpu.memory_space<vmem>>)
      %mul3A_23 = arith.constant 128 : i32
      %mul3A_24 = arith.muli %add3A_18, %mul3A_23 : i32
      "tpu.region"() ({
        %run_scoped3A_35 = tpu.sem_alloc : memref<!tpu.dma_semaphore, #tpu.memory_space<semaphore_mem>>
        %dma_start3A_36 = arith.constant 0 : i32
        %dma_start3A_37 = tpu.memref_slice %arg5[%mul3A_24, %dma_start3A_36] : memref<160000x128xf32, #tpu.memory_space<hbm>> -> memref<128x64xf32, #tpu.memory_space<hbm>>
        %dma_start3A_38 = arith.constant 0 : i32
        %dma_start3A_39 = tpu.memref_slice %arg5[%mul3A_24, %dma_start3A_38] : memref<160000x128xf32, #tpu.memory_space<hbm>> -> memref<128x64xf32, #tpu.memory_space<hbm>>
        tpu.enqueue_dma source(%arg7 : memref<128x64xf32, #tpu.memory_space<vmem>>) target(%dma_start3A_39 : memref<128x64xf32, #tpu.memory_space<hbm>>) target_semaphore(%run_scoped3A_35 : memref<!tpu.dma_semaphore, #tpu.memory_space<semaphore_mem>>)
        %dma_wait3A_40 = arith.constant 0 : i32
        %dma_wait3A_41 = tpu.memref_slice %arg5[%mul3A_24, %dma_wait3A_40] : memref<160000x128xf32, #tpu.memory_space<hbm>> -> memref<128x64xf32, #tpu.memory_space<hbm>>
        %dma_wait3A_42 = arith.constant 0 : i32
        %dma_wait3A_43 = tpu.memref_slice %arg5[%mul3A_24, %dma_wait3A_42] : memref<160000x128xf32, #tpu.memory_space<hbm>> -> memref<128x64xf32, #tpu.memory_space<hbm>>
        tpu.wait_dma2 semaphore(%run_scoped3A_35 : memref<!tpu.dma_semaphore, #tpu.memory_space<semaphore_mem>>) src(%arg7 : memref<128x64xf32, #tpu.memory_space<vmem>>) dst(%dma_wait3A_43 : memref<128x64xf32, #tpu.memory_space<hbm>>)
        tpu.yield
      }) : () -> ()
      %run_scoped3A_25 = arith.constant 1 : i32
      "tpu.region"() ({
        %run_scoped3A_35 = tpu.sem_alloc : memref<!tpu.dma_semaphore, #tpu.memory_space<semaphore_mem>>
        %dma_start3A_36 = arith.constant 0 : i32
        %dma_start3A_37 = tpu.memref_slice %arg4[%run_scoped3A_25, %add3A_18, %dma_start3A_36] : memref<2x1250x128xi32, #tpu.memory_space<hbm>> -> memref<1x1x128xi32, #tpu.memory_space<hbm>>
        %dma_start3A_38 = tpu.memref_squeeze %dma_start3A_37 : memref<1x1x128xi32, #tpu.memory_space<hbm>> -> memref<128xi32, #tpu.memory_space<hbm>>
        %dma_start3A_39 = arith.constant 0 : i32
        %dma_start3A_40 = tpu.memref_slice %arg4[%run_scoped3A_25, %add3A_18, %dma_start3A_39] : memref<2x1250x128xi32, #tpu.memory_space<hbm>> -> memref<1x1x128xi32, #tpu.memory_space<hbm>>
        %dma_start3A_41 = tpu.memref_squeeze %dma_start3A_40 : memref<1x1x128xi32, #tpu.memory_space<hbm>> -> memref<128xi32, #tpu.memory_space<hbm>>
        tpu.enqueue_dma source(%dma_start3A_41 : memref<128xi32, #tpu.memory_space<hbm>>) target(%arg6 : memref<128xi32, #tpu.memory_space<vmem>>) target_semaphore(%run_scoped3A_35 : memref<!tpu.dma_semaphore, #tpu.memory_space<semaphore_mem>>)
        %dma_wait3A_42 = arith.constant 0 : i32
        %dma_wait3A_43 = tpu.memref_slice %arg4[%run_scoped3A_25, %add3A_18, %dma_wait3A_42] : memref<2x1250x128xi32, #tpu.memory_space<hbm>> -> memref<1x1x128xi32, #tpu.memory_space<hbm>>
        %dma_wait3A_44 = tpu.memref_squeeze %dma_wait3A_43 : memref<1x1x128xi32, #tpu.memory_space<hbm>> -> memref<128xi32, #tpu.memory_space<hbm>>
        %dma_wait3A_45 = arith.constant 0 : i32
        %dma_wait3A_46 = tpu.memref_slice %arg4[%run_scoped3A_25, %add3A_18, %dma_wait3A_45] : memref<2x1250x128xi32, #tpu.memory_space<hbm>> -> memref<1x1x128xi32, #tpu.memory_space<hbm>>
        %dma_wait3A_47 = tpu.memref_squeeze %dma_wait3A_46 : memref<1x1x128xi32, #tpu.memory_space<hbm>> -> memref<128xi32, #tpu.memory_space<hbm>>
        tpu.wait_dma2 semaphore(%run_scoped3A_35 : memref<!tpu.dma_semaphore, #tpu.memory_space<semaphore_mem>>) src(%dma_wait3A_47 : memref<128xi32, #tpu.memory_space<hbm>>) dst(%arg6 : memref<128xi32, #tpu.memory_space<vmem>>)
        tpu.yield
      }) : () -> ()
      %dma_start3A_26 = arith.constant 0 : i32
      %dma_start3A_27 = arith.constant 0 : i32
      %dma_start3A_28 = tpu.memref_slice %arg3[%dma_start3A_26, %dma_start3A_27] : memref<10000x64xf32, #tpu.memory_space<hbm>> -> memref<10000x64xf32, #tpu.memory_space<hbm>>
      tpu.enqueue_indirect_dma source(%dma_start3A_28 : memref<10000x64xf32, #tpu.memory_space<hbm>>) target(%arg8 : memref<128x64xf32, #tpu.memory_space<vmem>>) offsets(%arg6 : memref<128xi32, #tpu.memory_space<vmem>>) semaphore(%arg9 : memref<!tpu.dma_semaphore, #tpu.memory_space<semaphore_mem>>)
      %dma_wait3A_29 = arith.constant 0 : i32
      %dma_wait3A_30 = arith.constant 0 : i32
      %dma_wait3A_31 = tpu.memref_slice %arg3[%dma_wait3A_29, %dma_wait3A_30] : memref<10000x64xf32, #tpu.memory_space<hbm>> -> memref<10000x64xf32, #tpu.memory_space<hbm>>
      tpu.wait_indirect_dma semaphore(%arg9 : memref<!tpu.dma_semaphore, #tpu.memory_space<semaphore_mem>>) src(%dma_wait3A_31 : memref<10000x64xf32, #tpu.memory_space<hbm>>) dst(%arg8 : memref<128x64xf32, #tpu.memory_space<vmem>>)
      %mul3A_32 = arith.constant 128 : i32
      %mul3A_33 = arith.muli %add3A_18, %mul3A_32 : i32
      "tpu.region"() ({
        %run_scoped3A_35 = tpu.sem_alloc : memref<!tpu.dma_semaphore, #tpu.memory_space<semaphore_mem>>
        %dma_start3A_36 = arith.constant 64 : i32
        %dma_start3A_37 = tpu.memref_slice %arg5[%mul3A_33, %dma_start3A_36] : memref<160000x128xf32, #tpu.memory_space<hbm>> -> memref<128x64xf32, #tpu.memory_space<hbm>>
        %dma_start3A_38 = arith.constant 64 : i32
        %dma_start3A_39 = tpu.memref_slice %arg5[%mul3A_33, %dma_start3A_38] : memref<160000x128xf32, #tpu.memory_space<hbm>> -> memref<128x64xf32, #tpu.memory_space<hbm>>
        tpu.enqueue_dma source(%arg8 : memref<128x64xf32, #tpu.memory_space<vmem>>) target(%dma_start3A_39 : memref<128x64xf32, #tpu.memory_space<hbm>>) target_semaphore(%run_scoped3A_35 : memref<!tpu.dma_semaphore, #tpu.memory_space<semaphore_mem>>)
        %dma_wait3A_40 = arith.constant 64 : i32
        %dma_wait3A_41 = tpu.memref_slice %arg5[%mul3A_33, %dma_wait3A_40] : memref<160000x128xf32, #tpu.memory_space<hbm>> -> memref<128x64xf32, #tpu.memory_space<hbm>>
        %dma_wait3A_42 = arith.constant 64 : i32
        %dma_wait3A_43 = tpu.memref_slice %arg5[%mul3A_33, %dma_wait3A_42] : memref<160000x128xf32, #tpu.memory_space<hbm>> -> memref<128x64xf32, #tpu.memory_space<hbm>>
        tpu.wait_dma2 semaphore(%run_scoped3A_35 : memref<!tpu.dma_semaphore, #tpu.memory_space<semaphore_mem>>) src(%arg8 : memref<128x64xf32, #tpu.memory_space<vmem>>) dst(%dma_wait3A_43 : memref<128x64xf32, #tpu.memory_space<hbm>>)
        tpu.yield
      }) : () -> ()
      %while3A_34 = arith.constant 0 : i32
      scf.yield %while3A_34 : i32
    }
    %while3A_12 = arith.constant 1 : i32
    %while3A_13 = scf.for %while3A_14 = %while3A_9 to %while3A_5 step %while3A_12 iter_args(%while3A_15 = %while3A_11) -> (i32)  : i32 {
      %mul3A_16 = arith.constant 32 : i32
      %mul3A_17 = arith.muli %mul3A_16, %while3A_14 : i32
      %add3A_18 = arith.addi %add3A, %mul3A_17 : i32
      %run_scoped3A = arith.constant 0 : i32
      "tpu.region"() ({
        %run_scoped3A_35 = tpu.sem_alloc : memref<!tpu.dma_semaphore, #tpu.memory_space<semaphore_mem>>
        %dma_start3A_36 = arith.constant 0 : i32
        %dma_start3A_37 = tpu.memref_slice %arg4[%run_scoped3A, %add3A_18, %dma_start3A_36] : memref<2x1250x128xi32, #tpu.memory_space<hbm>> -> memref<1x1x128xi32, #tpu.memory_space<hbm>>
        %dma_start3A_38 = tpu.memref_squeeze %dma_start3A_37 : memref<1x1x128xi32, #tpu.memory_space<hbm>> -> memref<128xi32, #tpu.memory_space<hbm>>
        %dma_start3A_39 = arith.constant 0 : i32
        %dma_start3A_40 = tpu.memref_slice %arg4[%run_scoped3A, %add3A_18, %dma_start3A_39] : memref<2x1250x128xi32, #tpu.memory_space<hbm>> -> memref<1x1x128xi32, #tpu.memory_space<hbm>>
        %dma_start3A_41 = tpu.memref_squeeze %dma_start3A_40 : memref<1x1x128xi32, #tpu.memory_space<hbm>> -> memref<128xi32, #tpu.memory_space<hbm>>
        tpu.enqueue_dma source(%dma_start3A_41 : memref<128xi32, #tpu.memory_space<hbm>>) target(%arg6 : memref<128xi32, #tpu.memory_space<vmem>>) target_semaphore(%run_scoped3A_35 : memref<!tpu.dma_semaphore, #tpu.memory_space<semaphore_mem>>)
        %dma_wait3A_42 = arith.constant 0 : i32
        %dma_wait3A_43 = tpu.memref_slice %arg4[%run_scoped3A, %add3A_18, %dma_wait3A_42] : memref<2x1250x128xi32, #tpu.memory_space<hbm>> -> memref<1x1x128xi32, #tpu.memory_space<hbm>>
        %dma_wait3A_44 = tpu.memref_squeeze %dma_wait3A_43 : memref<1x1x128xi32, #tpu.memory_space<hbm>> -> memref<128xi32, #tpu.memory_space<hbm>>
        %dma_wait3A_45 = arith.constant 0 : i32
        %dma_wait3A_46 = tpu.memref_slice %arg4[%run_scoped3A, %add3A_18, %dma_wait3A_45] : memref<2x1250x128xi32, #tpu.memory_space<hbm>> -> memref<1x1x128xi32, #tpu.memory_space<hbm>>
        %dma_wait3A_47 = tpu.memref_squeeze %dma_wait3A_46 : memref<1x1x128xi32, #tpu.memory_space<hbm>> -> memref<128xi32, #tpu.memory_space<hbm>>
        tpu.wait_dma2 semaphore(%run_scoped3A_35 : memref<!tpu.dma_semaphore, #tpu.memory_space<semaphore_mem>>) src(%dma_wait3A_47 : memref<128xi32, #tpu.memory_space<hbm>>) dst(%arg6 : memref<128xi32, #tpu.memory_space<vmem>>)
        tpu.yield
      }) : () -> ()
      %dma_start3A = arith.constant 0 : i32
      %dma_start3A_19 = arith.constant 0 : i32
      %dma_start3A_20 = tpu.memref_slice %arg2[%dma_start3A, %dma_start3A_19] : memref<10000x64xf32, #tpu.memory_space<hbm>> -> memref<10000x64xf32, #tpu.memory_space<hbm>>
      tpu.enqueue_indirect_dma source(%dma_start3A_20 : memref<10000x64xf32, #tpu.memory_space<hbm>>) target(%arg7 : memref<128x64xf32, #tpu.memory_space<vmem>>) offsets(%arg6 : memref<128xi32, #tpu.memory_space<vmem>>) semaphore(%arg9 : memref<!tpu.dma_semaphore, #tpu.memory_space<semaphore_mem>>)
      %dma_wait3A = arith.constant 0 : i32
      %dma_wait3A_21 = arith.constant 0 : i32
      %dma_wait3A_22 = tpu.memref_slice %arg2[%dma_wait3A, %dma_wait3A_21] : memref<10000x64xf32, #tpu.memory_space<hbm>> -> memref<10000x64xf32, #tpu.memory_space<hbm>>
      tpu.wait_indirect_dma semaphore(%arg9 : memref<!tpu.dma_semaphore, #tpu.memory_space<semaphore_mem>>) src(%dma_wait3A_22 : memref<10000x64xf32, #tpu.memory_space<hbm>>) dst(%arg7 : memref<128x64xf32, #tpu.memory_space<vmem>>)
      %mul3A_23 = arith.constant 128 : i32
      %mul3A_24 = arith.muli %add3A_18, %mul3A_23 : i32
      "tpu.region"() ({
        %run_scoped3A_35 = tpu.sem_alloc : memref<!tpu.dma_semaphore, #tpu.memory_space<semaphore_mem>>
        %dma_start3A_36 = arith.constant 0 : i32
        %dma_start3A_37 = tpu.memref_slice %arg5[%mul3A_24, %dma_start3A_36] : memref<160000x128xf32, #tpu.memory_space<hbm>> -> memref<128x64xf32, #tpu.memory_space<hbm>>
        %dma_start3A_38 = arith.constant 0 : i32
        %dma_start3A_39 = tpu.memref_slice %arg5[%mul3A_24, %dma_start3A_38] : memref<160000x128xf32, #tpu.memory_space<hbm>> -> memref<128x64xf32, #tpu.memory_space<hbm>>
        tpu.enqueue_dma source(%arg7 : memref<128x64xf32, #tpu.memory_space<vmem>>) target(%dma_start3A_39 : memref<128x64xf32, #tpu.memory_space<hbm>>) target_semaphore(%run_scoped3A_35 : memref<!tpu.dma_semaphore, #tpu.memory_space<semaphore_mem>>)
        %dma_wait3A_40 = arith.constant 0 : i32
        %dma_wait3A_41 = tpu.memref_slice %arg5[%mul3A_24, %dma_wait3A_40] : memref<160000x128xf32, #tpu.memory_space<hbm>> -> memref<128x64xf32, #tpu.memory_space<hbm>>
        %dma_wait3A_42 = arith.constant 0 : i32
        %dma_wait3A_43 = tpu.memref_slice %arg5[%mul3A_24, %dma_wait3A_42] : memref<160000x128xf32, #tpu.memory_space<hbm>> -> memref<128x64xf32, #tpu.memory_space<hbm>>
        tpu.wait_dma2 semaphore(%run_scoped3A_35 : memref<!tpu.dma_semaphore, #tpu.memory_space<semaphore_mem>>) src(%arg7 : memref<128x64xf32, #tpu.memory_space<vmem>>) dst(%dma_wait3A_43 : memref<128x64xf32, #tpu.memory_space<hbm>>)
        tpu.yield
      }) : () -> ()
      %run_scoped3A_25 = arith.constant 1 : i32
      "tpu.region"() ({
        %run_scoped3A_35 = tpu.sem_alloc : memref<!tpu.dma_semaphore, #tpu.memory_space<semaphore_mem>>
        %dma_start3A_36 = arith.constant 0 : i32
        %dma_start3A_37 = tpu.memref_slice %arg4[%run_scoped3A_25, %add3A_18, %dma_start3A_36] : memref<2x1250x128xi32, #tpu.memory_space<hbm>> -> memref<1x1x128xi32, #tpu.memory_space<hbm>>
        %dma_start3A_38 = tpu.memref_squeeze %dma_start3A_37 : memref<1x1x128xi32, #tpu.memory_space<hbm>> -> memref<128xi32, #tpu.memory_space<hbm>>
        %dma_start3A_39 = arith.constant 0 : i32
        %dma_start3A_40 = tpu.memref_slice %arg4[%run_scoped3A_25, %add3A_18, %dma_start3A_39] : memref<2x1250x128xi32, #tpu.memory_space<hbm>> -> memref<1x1x128xi32, #tpu.memory_space<hbm>>
        %dma_start3A_41 = tpu.memref_squeeze %dma_start3A_40 : memref<1x1x128xi32, #tpu.memory_space<hbm>> -> memref<128xi32, #tpu.memory_space<hbm>>
        tpu.enqueue_dma source(%dma_start3A_41 : memref<128xi32, #tpu.memory_space<hbm>>) target(%arg6 : memref<128xi32, #tpu.memory_space<vmem>>) target_semaphore(%run_scoped3A_35 : memref<!tpu.dma_semaphore, #tpu.memory_space<semaphore_mem>>)
        %dma_wait3A_42 = arith.constant 0 : i32
        %dma_wait3A_43 = tpu.memref_slice %arg4[%run_scoped3A_25, %add3A_18, %dma_wait3A_42] : memref<2x1250x128xi32, #tpu.memory_space<hbm>> -> memref<1x1x128xi32, #tpu.memory_space<hbm>>
        %dma_wait3A_44 = tpu.memref_squeeze %dma_wait3A_43 : memref<1x1x128xi32, #tpu.memory_space<hbm>> -> memref<128xi32, #tpu.memory_space<hbm>>
        %dma_wait3A_45 = arith.constant 0 : i32
        %dma_wait3A_46 = tpu.memref_slice %arg4[%run_scoped3A_25, %add3A_18, %dma_wait3A_45] : memref<2x1250x128xi32, #tpu.memory_space<hbm>> -> memref<1x1x128xi32, #tpu.memory_space<hbm>>
        %dma_wait3A_47 = tpu.memref_squeeze %dma_wait3A_46 : memref<1x1x128xi32, #tpu.memory_space<hbm>> -> memref<128xi32, #tpu.memory_space<hbm>>
        tpu.wait_dma2 semaphore(%run_scoped3A_35 : memref<!tpu.dma_semaphore, #tpu.memory_space<semaphore_mem>>) src(%dma_wait3A_47 : memref<128xi32, #tpu.memory_space<hbm>>) dst(%arg6 : memref<128xi32, #tpu.memory_space<vmem>>)
        tpu.yield
      }) : () -> ()
      %dma_start3A_26 = arith.constant 0 : i32
      %dma_start3A_27 = arith.constant 0 : i32
      %dma_start3A_28 = tpu.memref_slice %arg3[%dma_start3A_26, %dma_start3A_27] : memref<10000x64xf32, #tpu.memory_space<hbm>> -> memref<10000x64xf32, #tpu.memory_space<hbm>>
      tpu.enqueue_indirect_dma source(%dma_start3A_28 : memref<10000x64xf32, #tpu.memory_space<hbm>>) target(%arg8 : memref<128x64xf32, #tpu.memory_space<vmem>>) offsets(%arg6 : memref<128xi32, #tpu.memory_space<vmem>>) semaphore(%arg9 : memref<!tpu.dma_semaphore, #tpu.memory_space<semaphore_mem>>)
      %dma_wait3A_29 = arith.constant 0 : i32
      %dma_wait3A_30 = arith.constant 0 : i32
      %dma_wait3A_31 = tpu.memref_slice %arg3[%dma_wait3A_29, %dma_wait3A_30] : memref<10000x64xf32, #tpu.memory_space<hbm>> -> memref<10000x64xf32, #tpu.memory_space<hbm>>
      tpu.wait_indirect_dma semaphore(%arg9 : memref<!tpu.dma_semaphore, #tpu.memory_space<semaphore_mem>>) src(%dma_wait3A_31 : memref<10000x64xf32, #tpu.memory_space<hbm>>) dst(%arg8 : memref<128x64xf32, #tpu.memory_space<vmem>>)
      %mul3A_32 = arith.constant 128 : i32
      %mul3A_33 = arith.muli %add3A_18, %mul3A_32 : i32
      "tpu.region"() ({
        %run_scoped3A_35 = tpu.sem_alloc : memref<!tpu.dma_semaphore, #tpu.memory_space<semaphore_mem>>
        %dma_start3A_36 = arith.constant 64 : i32
        %dma_start3A_37 = tpu.memref_slice %arg5[%mul3A_33, %dma_start3A_36] : memref<160000x128xf32, #tpu.memory_space<hbm>> -> memref<128x64xf32, #tpu.memory_space<hbm>>
        %dma_start3A_38 = arith.constant 64 : i32
        %dma_start3A_39 = tpu.memref_slice %arg5[%mul3A_33, %dma_start3A_38] : memref<160000x128xf32, #tpu.memory_space<hbm>> -> memref<128x64xf32, #tpu.memory_space<hbm>>
        tpu.enqueue_dma source(%arg8 : memref<128x64xf32, #tpu.memory_space<vmem>>) target(%dma_start3A_39 : memref<128x64xf32, #tpu.memory_space<hbm>>) target_semaphore(%run_scoped3A_35 : memref<!tpu.dma_semaphore, #tpu.memory_space<semaphore_mem>>)
        %dma_wait3A_40 = arith.constant 64 : i32
        %dma_wait3A_41 = tpu.memref_slice %arg5[%mul3A_33, %dma_wait3A_40] : memref<160000x128xf32, #tpu.memory_space<hbm>> -> memref<128x64xf32, #tpu.memory_space<hbm>>
        %dma_wait3A_42 = arith.constant 64 : i32
        %dma_wait3A_43 = tpu.memref_slice %arg5[%mul3A_33, %dma_wait3A_42] : memref<160000x128xf32, #tpu.memory_space<hbm>> -> memref<128x64xf32, #tpu.memory_space<hbm>>
        tpu.wait_dma2 semaphore(%run_scoped3A_35 : memref<!tpu.dma_semaphore, #tpu.memory_space<semaphore_mem>>) src(%arg8 : memref<128x64xf32, #tpu.memory_space<vmem>>) dst(%dma_wait3A_43 : memref<128x64xf32, #tpu.memory_space<hbm>>)
        tpu.yield
      }) : () -> ()
      %while3A_34 = arith.constant 0 : i32
      scf.yield %while3A_34 : i32
    }
    return
  }
}

module attributes {stable_mosaic.version = 14 : i64} {
  func.func @_mlp_body(%arg0: i32, %arg1: memref<640x128xf32, #tpu.memory_space<vmem>>, %arg2: memref<640x128xf32, #tpu.memory_space<vmem>>, %arg3: memref<640x1xf32, #tpu.memory_space<vmem>>, %arg4: memref<640x361xf32, #tpu.memory_space<vmem>>, %arg5: memref<256x64xf32, #tpu.memory_space<vmem>>, %arg6: memref<1x64xf32, #tpu.memory_space<vmem>>, %arg7: memref<1x64xf32, #tpu.memory_space<vmem>>, %arg8: memref<1x64xf32, #tpu.memory_space<vmem>>, %arg9: memref<64x640xf32, #tpu.memory_space<vmem>>, %arg10: memref<1x640xf32, #tpu.memory_space<vmem>>, %arg11: memref<640x24x128xf32, #tpu.memory_space<vmem>>) attributes {dimension_semantics = [#tpu.dimension_semantics<arbitrary>], iteration_bounds = array<i64: 250>, scalar_prefetch = 0 : i64, scratch_operands = 0 : i64, tpu.core_type = #tpu.core_type<tc>, window_params = [{transform_indices = @transform_0, window_bounds = array<i64: 640, 128>}, {transform_indices = @transform_1, window_bounds = array<i64: 640, 128>}, {transform_indices = @transform_2, window_bounds = array<i64: 640, 1>}, {transform_indices = @transform_3, window_bounds = array<i64: 640, 361>}, {pipeline_mode = #tpu.pipeline_mode<synchronous>, transform_indices = @transform_4, window_bounds = array<i64: 256, 64>}, {pipeline_mode = #tpu.pipeline_mode<synchronous>, transform_indices = @transform_5, window_bounds = array<i64: 1, 64>}, {pipeline_mode = #tpu.pipeline_mode<synchronous>, transform_indices = @transform_6, window_bounds = array<i64: 1, 64>}, {pipeline_mode = #tpu.pipeline_mode<synchronous>, transform_indices = @transform_7, window_bounds = array<i64: 1, 64>}, {pipeline_mode = #tpu.pipeline_mode<synchronous>, transform_indices = @transform_8, window_bounds = array<i64: 64, 640>}, {pipeline_mode = #tpu.pipeline_mode<synchronous>, transform_indices = @transform_9, window_bounds = array<i64: 1, 640>}, {transform_indices = @transform_10, window_bounds = array<i64: 640, 24, 128>}]} {
    %get3A = arith.constant 0 : index
    %get3A_0 = arith.constant 0 : index
    %get3A_1 = vector.load %arg1[%get3A, %get3A_0] : memref<640x128xf32, #tpu.memory_space<vmem>>, vector<640x128xf32>
    %get3A_2 = arith.constant 0 : index
    %get3A_3 = arith.constant 0 : index
    %get3A_4 = vector.load %arg2[%get3A_2, %get3A_3] : memref<640x128xf32, #tpu.memory_space<vmem>>, vector<640x128xf32>
    %concatenate3A = tpu.concatenate %get3A_1, %get3A_4 in 1 : vector<640x128xf32>, vector<640x128xf32> -> vector<640x256xf32>
    %get3A_5 = arith.constant 0 : index
    %get3A_6 = arith.constant 0 : index
    %get3A_7 = vector.load %arg5[%get3A_5, %get3A_6] : memref<256x64xf32, #tpu.memory_space<vmem>>, vector<256x64xf32>
    %dot_general3A = arith.constant dense<0.000000e+00> : vector<640x64xf32>
    %dot_general3A_8 = tpu.matmul %concatenate3A, %get3A_7, %dot_general3A {dimension_numbers = #tpu.dot_dimension_numbers<[1], [0], [0], [1], [0, 0, 1, 1], [], []>, precision = #tpu.contract_precision<fp32>, transpose_lhs_hint = false} : vector<640x256xf32>, vector<256x64xf32>, vector<640x64xf32> -> vector<640x64xf32>
    %get3A_9 = arith.constant 0 : index
    %get3A_10 = arith.constant 0 : index
    %get3A_11 = vector.load %arg6[%get3A_9, %get3A_10] : memref<1x64xf32, #tpu.memory_space<vmem>>, vector<1x64xf32>
    %add3A = vector.broadcast %get3A_11 : vector<1x64xf32> to vector<640x64xf32>
    %add3A_12 = arith.addf %dot_general3A_8, %add3A : vector<640x64xf32>
    %reduce_sum3A = arith.constant dense<0.000000e+00> : vector<640xf32>
    %reduce_sum3A_13 = vector.multi_reduction <add>, %add3A_12, %reduce_sum3A [1] : vector<640x64xf32> to vector<640xf32>
    %broadcast_in_dim3A = vector.shape_cast %reduce_sum3A_13 : vector<640xf32> to vector<640x1xf32>
    %div3A = arith.constant 6.400000e+01 : f32
    %div3A_14 = vector.broadcast %div3A : f32 to vector<640x1xf32>
    %div3A_15 = arith.divf %broadcast_in_dim3A, %div3A_14 : vector<640x1xf32>
    %sub3A = vector.broadcast %div3A_15 : vector<640x1xf32> to vector<640x64xf32>
    %sub3A_16 = arith.subf %add3A_12, %sub3A : vector<640x64xf32>
    %mul3A = arith.mulf %sub3A_16, %sub3A_16 : vector<640x64xf32>
    %reduce_sum3A_17 = arith.constant dense<0.000000e+00> : vector<640xf32>
    %reduce_sum3A_18 = vector.multi_reduction <add>, %mul3A, %reduce_sum3A_17 [1] : vector<640x64xf32> to vector<640xf32>
    %broadcast_in_dim3A_19 = vector.shape_cast %reduce_sum3A_18 : vector<640xf32> to vector<640x1xf32>
    %div3A_20 = arith.constant 6.400000e+01 : f32
    %div3A_21 = vector.broadcast %div3A_20 : f32 to vector<640x1xf32>
    %div3A_22 = arith.divf %broadcast_in_dim3A_19, %div3A_21 : vector<640x1xf32>
    %add3A_23 = arith.constant 9.99999974E-6 : f32
    %add3A_24 = vector.broadcast %add3A_23 : f32 to vector<640x1xf32>
    %add3A_25 = arith.addf %div3A_22, %add3A_24 : vector<640x1xf32>
    %rsqrt3A = math.rsqrt %add3A_25 : vector<640x1xf32>
    %mul3A_26 = vector.broadcast %rsqrt3A : vector<640x1xf32> to vector<640x64xf32>
    %mul3A_27 = arith.mulf %sub3A_16, %mul3A_26 : vector<640x64xf32>
    %get3A_28 = arith.constant 0 : index
    %get3A_29 = arith.constant 0 : index
    %get3A_30 = vector.load %arg7[%get3A_28, %get3A_29] : memref<1x64xf32, #tpu.memory_space<vmem>>, vector<1x64xf32>
    %mul3A_31 = vector.broadcast %get3A_30 : vector<1x64xf32> to vector<640x64xf32>
    %mul3A_32 = arith.mulf %mul3A_27, %mul3A_31 : vector<640x64xf32>
    %get3A_33 = arith.constant 0 : index
    %get3A_34 = arith.constant 0 : index
    %get3A_35 = vector.load %arg8[%get3A_33, %get3A_34] : memref<1x64xf32, #tpu.memory_space<vmem>>, vector<1x64xf32>
    %add3A_36 = vector.broadcast %get3A_35 : vector<1x64xf32> to vector<640x64xf32>
    %add3A_37 = arith.addf %mul3A_32, %add3A_36 : vector<640x64xf32>
    %logistic3A = arith.negf %add3A_37 : vector<640x64xf32>
    %logistic3A_38 = math.exp %logistic3A : vector<640x64xf32>
    %logistic3A_39 = arith.constant 1.000000e+00 : f32
    %logistic3A_40 = vector.broadcast %logistic3A_39 : f32 to vector<640x64xf32>
    %logistic3A_41 = arith.addf %logistic3A_40, %logistic3A_38 : vector<640x64xf32>
    %logistic3A_42 = arith.divf %logistic3A_40, %logistic3A_41 : vector<640x64xf32>
    %mul3A_43 = arith.mulf %add3A_37, %logistic3A_42 : vector<640x64xf32>
    %get3A_44 = arith.constant 0 : index
    %get3A_45 = arith.constant 0 : index
    %get3A_46 = vector.load %arg9[%get3A_44, %get3A_45] : memref<64x640xf32, #tpu.memory_space<vmem>>, vector<64x640xf32>
    %dot_general3A_47 = arith.constant dense<0.000000e+00> : vector<640x640xf32>
    %dot_general3A_48 = tpu.matmul %mul3A_43, %get3A_46, %dot_general3A_47 {dimension_numbers = #tpu.dot_dimension_numbers<[1], [0], [0], [1], [0, 0, 1, 1], [], []>, precision = #tpu.contract_precision<fp32>, transpose_lhs_hint = false} : vector<640x64xf32>, vector<64x640xf32>, vector<640x640xf32> -> vector<640x640xf32>
    %get3A_49 = arith.constant 0 : index
    %get3A_50 = arith.constant 0 : index
    %get3A_51 = vector.load %arg10[%get3A_49, %get3A_50] : memref<1x640xf32, #tpu.memory_space<vmem>>, vector<1x640xf32>
    %add3A_52 = vector.broadcast %get3A_51 : vector<1x640xf32> to vector<640x640xf32>
    %add3A_53 = arith.addf %dot_general3A_48, %add3A_52 : vector<640x640xf32>
    %get3A_54 = arith.constant 0 : index
    %get3A_55 = arith.constant 0 : index
    %get3A_56 = vector.load %arg3[%get3A_54, %get3A_55] : memref<640x1xf32, #tpu.memory_space<vmem>>, vector<640x1xf32>
    %mul3A_57 = arith.constant 0.0833333358 : f32
    %mul3A_58 = vector.broadcast %mul3A_57 : f32 to vector<640x1xf32>
    %mul3A_59 = arith.mulf %get3A_56, %mul3A_58 : vector<640x1xf32>
    %mul3A_60 = arith.mulf %mul3A_59, %mul3A_59 : vector<640x1xf32>
    %mul3A_61 = arith.mulf %mul3A_60, %mul3A_60 : vector<640x1xf32>
    %mul3A_62 = arith.mulf %mul3A_61, %mul3A_59 : vector<640x1xf32>
    %mul3A_63 = arith.constant 2.100000e+01 : f32
    %mul3A_64 = vector.broadcast %mul3A_63 : f32 to vector<640x1xf32>
    %mul3A_65 = arith.mulf %mul3A_64, %mul3A_62 : vector<640x1xf32>
    %sub3A_66 = arith.constant 1.000000e+00 : f32
    %sub3A_67 = vector.broadcast %sub3A_66 : f32 to vector<640x1xf32>
    %sub3A_68 = arith.subf %sub3A_67, %mul3A_65 : vector<640x1xf32>
    %mul3A_69 = arith.constant 3.500000e+01 : f32
    %mul3A_70 = vector.broadcast %mul3A_69 : f32 to vector<640x1xf32>
    %mul3A_71 = arith.mulf %mul3A_70, %mul3A_62 : vector<640x1xf32>
    %mul3A_72 = arith.mulf %mul3A_71, %mul3A_59 : vector<640x1xf32>
    %add3A_73 = arith.addf %sub3A_68, %mul3A_72 : vector<640x1xf32>
    %mul3A_74 = arith.constant 1.500000e+01 : f32
    %mul3A_75 = vector.broadcast %mul3A_74 : f32 to vector<640x1xf32>
    %mul3A_76 = arith.mulf %mul3A_75, %mul3A_62 : vector<640x1xf32>
    %mul3A_77 = arith.mulf %mul3A_76, %mul3A_60 : vector<640x1xf32>
    %sub3A_78 = arith.subf %add3A_73, %mul3A_77 : vector<640x1xf32>
    %lt3A = arith.constant 1.000000e+00 : f32
    %lt3A_79 = vector.broadcast %lt3A : f32 to vector<640x1xf32>
    %lt3A_80 = arith.cmpf olt, %mul3A_59, %lt3A_79 : vector<640x1xf32>
    %broadcast_in_dim3A_81 = arith.constant 0.000000e+00 : f32
    %broadcast_in_dim3A_82 = vector.broadcast %broadcast_in_dim3A_81 : f32 to vector<640x1xf32>
    %select_n3A = arith.select %lt3A_80, %sub3A_78, %broadcast_in_dim3A_82 : vector<640x1xi1>, vector<640x1xf32>
    %mul3A_83 = arith.constant 0.0427350439 : f32
    %mul3A_84 = vector.broadcast %mul3A_83 : f32 to vector<640x1xf32>
    %mul3A_85 = arith.mulf %select_n3A, %mul3A_84 : vector<640x1xf32>
    %mul3A_86 = vector.broadcast %mul3A_85 : vector<640x1xf32> to vector<640x640xf32>
    %mul3A_87 = arith.mulf %add3A_53, %mul3A_86 : vector<640x640xf32>
    %get3A_88 = arith.constant 0 : index
    %get3A_89 = arith.constant 0 : index
    %get3A_90 = vector.load %arg4[%get3A_88, %get3A_89] : memref<640x361xf32, #tpu.memory_space<vmem>>, vector<640x361xf32>
    %slice3A = vector.extract_strided_slice %get3A_90 {offsets = [0, 0], sizes = [640, 5], strides = [1, 1]} : vector<640x361xf32> to vector<640x5xf32>
    %slice3A_91 = vector.extract_strided_slice %slice3A {offsets = [0, 0], sizes = [640, 1], strides = [1, 1]} : vector<640x5xf32> to vector<640x1xf32>
    %squeeze3A = vector.shape_cast %slice3A_91 : vector<640x1xf32> to vector<640xf32>
    %broadcast_in_dim3A_92 = vector.shape_cast %squeeze3A : vector<640xf32> to vector<640x1xf32>
    %slice3A_93 = vector.extract_strided_slice %mul3A_87 {offsets = [0, 0], sizes = [640, 128], strides = [1, 1]} : vector<640x640xf32> to vector<640x128xf32>
    %mul3A_94 = vector.broadcast %broadcast_in_dim3A_92 : vector<640x1xf32> to vector<640x128xf32>
    %mul3A_95 = arith.mulf %mul3A_94, %slice3A_93 : vector<640x128xf32>
    %slice3A_96 = vector.extract_strided_slice %slice3A {offsets = [0, 1], sizes = [640, 1], strides = [1, 1]} : vector<640x5xf32> to vector<640x1xf32>
    %squeeze3A_97 = vector.shape_cast %slice3A_96 : vector<640x1xf32> to vector<640xf32>
    %broadcast_in_dim3A_98 = vector.shape_cast %squeeze3A_97 : vector<640xf32> to vector<640x1xf32>
    %slice3A_99 = vector.extract_strided_slice %mul3A_87 {offsets = [0, 128], sizes = [640, 128], strides = [1, 1]} : vector<640x640xf32> to vector<640x128xf32>
    %mul3A_100 = vector.broadcast %broadcast_in_dim3A_98 : vector<640x1xf32> to vector<640x128xf32>
    %mul3A_101 = arith.mulf %mul3A_100, %slice3A_99 : vector<640x128xf32>
    %add3A_102 = arith.addf %mul3A_95, %mul3A_101 : vector<640x128xf32>
    %slice3A_103 = vector.extract_strided_slice %slice3A {offsets = [0, 2], sizes = [640, 1], strides = [1, 1]} : vector<640x5xf32> to vector<640x1xf32>
    %squeeze3A_104 = vector.shape_cast %slice3A_103 : vector<640x1xf32> to vector<640xf32>
    %broadcast_in_dim3A_105 = vector.shape_cast %squeeze3A_104 : vector<640xf32> to vector<640x1xf32>
    %slice3A_106 = vector.extract_strided_slice %mul3A_87 {offsets = [0, 256], sizes = [640, 128], strides = [1, 1]} : vector<640x640xf32> to vector<640x128xf32>
    %mul3A_107 = vector.broadcast %broadcast_in_dim3A_105 : vector<640x1xf32> to vector<640x128xf32>
    %mul3A_108 = arith.mulf %mul3A_107, %slice3A_106 : vector<640x128xf32>
    %add3A_109 = arith.addf %add3A_102, %mul3A_108 : vector<640x128xf32>
    %slice3A_110 = vector.extract_strided_slice %slice3A {offsets = [0, 3], sizes = [640, 1], strides = [1, 1]} : vector<640x5xf32> to vector<640x1xf32>
    %squeeze3A_111 = vector.shape_cast %slice3A_110 : vector<640x1xf32> to vector<640xf32>
    %broadcast_in_dim3A_112 = vector.shape_cast %squeeze3A_111 : vector<640xf32> to vector<640x1xf32>
    %slice3A_113 = vector.extract_strided_slice %mul3A_87 {offsets = [0, 384], sizes = [640, 128], strides = [1, 1]} : vector<640x640xf32> to vector<640x128xf32>
    %mul3A_114 = vector.broadcast %broadcast_in_dim3A_112 : vector<640x1xf32> to vector<640x128xf32>
    %mul3A_115 = arith.mulf %mul3A_114, %slice3A_113 : vector<640x128xf32>
    %add3A_116 = arith.addf %add3A_109, %mul3A_115 : vector<640x128xf32>
    %slice3A_117 = vector.extract_strided_slice %slice3A {offsets = [0, 4], sizes = [640, 1], strides = [1, 1]} : vector<640x5xf32> to vector<640x1xf32>
    %squeeze3A_118 = vector.shape_cast %slice3A_117 : vector<640x1xf32> to vector<640xf32>
    %broadcast_in_dim3A_119 = vector.shape_cast %squeeze3A_118 : vector<640xf32> to vector<640x1xf32>
    %slice3A_120 = vector.extract_strided_slice %mul3A_87 {offsets = [0, 512], sizes = [640, 128], strides = [1, 1]} : vector<640x640xf32> to vector<640x128xf32>
    %mul3A_121 = vector.broadcast %broadcast_in_dim3A_119 : vector<640x1xf32> to vector<640x128xf32>
    %mul3A_122 = arith.mulf %mul3A_121, %slice3A_120 : vector<640x128xf32>
    %add3A_123 = arith.addf %add3A_116, %mul3A_122 : vector<640x128xf32>
    %swap3A = arith.constant 0 : index
    %swap3A_124 = arith.constant 0 : index
    %swap3A_125 = arith.constant 0 : index
    %swap3A_126 = vector.load %arg11[%swap3A, %swap3A_124, %swap3A_125] : memref<640x24x128xf32, #tpu.memory_space<vmem>>, vector<640x1x128xf32>
    %swap3A_127 = vector.shape_cast %swap3A_126 : vector<640x1x128xf32> to vector<640x128xf32>
    %swap3A_128 = vector.shape_cast %add3A_123 : vector<640x128xf32> to vector<640x1x128xf32>
    tpu.vector_store %arg11[%swap3A, %swap3A_124, %swap3A_125], %swap3A_128 {strides = array<i32>} : memref<640x24x128xf32, #tpu.memory_space<vmem>>, vector<640x1x128xf32>,
    %slice3A_129 = vector.extract_strided_slice %get3A_90 {offsets = [0, 19], sizes = [640, 5], strides = [1, 1]} : vector<640x361xf32> to vector<640x5xf32>
    %slice3A_130 = vector.extract_strided_slice %slice3A_129 {offsets = [0, 0], sizes = [640, 1], strides = [1, 1]} : vector<640x5xf32> to vector<640x1xf32>
    %squeeze3A_131 = vector.shape_cast %slice3A_130 : vector<640x1xf32> to vector<640xf32>
    %broadcast_in_dim3A_132 = vector.shape_cast %squeeze3A_131 : vector<640xf32> to vector<640x1xf32>
    %slice3A_133 = vector.extract_strided_slice %mul3A_87 {offsets = [0, 0], sizes = [640, 128], strides = [1, 1]} : vector<640x640xf32> to vector<640x128xf32>
    %mul3A_134 = vector.broadcast %broadcast_in_dim3A_132 : vector<640x1xf32> to vector<640x128xf32>
    %mul3A_135 = arith.mulf %mul3A_134, %slice3A_133 : vector<640x128xf32>
    %slice3A_136 = vector.extract_strided_slice %slice3A_129 {offsets = [0, 1], sizes = [640, 1], strides = [1, 1]} : vector<640x5xf32> to vector<640x1xf32>
    %squeeze3A_137 = vector.shape_cast %slice3A_136 : vector<640x1xf32> to vector<640xf32>
    %broadcast_in_dim3A_138 = vector.shape_cast %squeeze3A_137 : vector<640xf32> to vector<640x1xf32>
    %slice3A_139 = vector.extract_strided_slice %mul3A_87 {offsets = [0, 128], sizes = [640, 128], strides = [1, 1]} : vector<640x640xf32> to vector<640x128xf32>
    %mul3A_140 = vector.broadcast %broadcast_in_dim3A_138 : vector<640x1xf32> to vector<640x128xf32>
    %mul3A_141 = arith.mulf %mul3A_140, %slice3A_139 : vector<640x128xf32>
    %add3A_142 = arith.addf %mul3A_135, %mul3A_141 : vector<640x128xf32>
    %slice3A_143 = vector.extract_strided_slice %slice3A_129 {offsets = [0, 2], sizes = [640, 1], strides = [1, 1]} : vector<640x5xf32> to vector<640x1xf32>
    %squeeze3A_144 = vector.shape_cast %slice3A_143 : vector<640x1xf32> to vector<640xf32>
    %broadcast_in_dim3A_145 = vector.shape_cast %squeeze3A_144 : vector<640xf32> to vector<640x1xf32>
    %slice3A_146 = vector.extract_strided_slice %mul3A_87 {offsets = [0, 256], sizes = [640, 128], strides = [1, 1]} : vector<640x640xf32> to vector<640x128xf32>
    %mul3A_147 = vector.broadcast %broadcast_in_dim3A_145 : vector<640x1xf32> to vector<640x128xf32>
    %mul3A_148 = arith.mulf %mul3A_147, %slice3A_146 : vector<640x128xf32>
    %add3A_149 = arith.addf %add3A_142, %mul3A_148 : vector<640x128xf32>
    %slice3A_150 = vector.extract_strided_slice %slice3A_129 {offsets = [0, 3], sizes = [640, 1], strides = [1, 1]} : vector<640x5xf32> to vector<640x1xf32>
    %squeeze3A_151 = vector.shape_cast %slice3A_150 : vector<640x1xf32> to vector<640xf32>
    %broadcast_in_dim3A_152 = vector.shape_cast %squeeze3A_151 : vector<640xf32> to vector<640x1xf32>
    %slice3A_153 = vector.extract_strided_slice %mul3A_87 {offsets = [0, 384], sizes = [640, 128], strides = [1, 1]} : vector<640x640xf32> to vector<640x128xf32>
    %mul3A_154 = vector.broadcast %broadcast_in_dim3A_152 : vector<640x1xf32> to vector<640x128xf32>
    %mul3A_155 = arith.mulf %mul3A_154, %slice3A_153 : vector<640x128xf32>
    %add3A_156 = arith.addf %add3A_149, %mul3A_155 : vector<640x128xf32>
    %slice3A_157 = vector.extract_strided_slice %slice3A_129 {offsets = [0, 4], sizes = [640, 1], strides = [1, 1]} : vector<640x5xf32> to vector<640x1xf32>
    %squeeze3A_158 = vector.shape_cast %slice3A_157 : vector<640x1xf32> to vector<640xf32>
    %broadcast_in_dim3A_159 = vector.shape_cast %squeeze3A_158 : vector<640xf32> to vector<640x1xf32>
    %slice3A_160 = vector.extract_strided_slice %mul3A_87 {offsets = [0, 512], sizes = [640, 128], strides = [1, 1]} : vector<640x640xf32> to vector<640x128xf32>
    %mul3A_161 = vector.broadcast %broadcast_in_dim3A_159 : vector<640x1xf32> to vector<640x128xf32>
    %mul3A_162 = arith.mulf %mul3A_161, %slice3A_160 : vector<640x128xf32>
    %add3A_163 = arith.addf %add3A_156, %mul3A_162 : vector<640x128xf32>
    %swap3A_164 = arith.constant 0 : index
    %swap3A_165 = arith.constant 1 : index
    %swap3A_166 = arith.constant 0 : index
    %swap3A_167 = vector.load %arg11[%swap3A_164, %swap3A_165, %swap3A_166] : memref<640x24x128xf32, #tpu.memory_space<vmem>>, vector<640x1x128xf32>
    %swap3A_168 = vector.shape_cast %swap3A_167 : vector<640x1x128xf32> to vector<640x128xf32>
    %swap3A_169 = vector.shape_cast %add3A_163 : vector<640x128xf32> to vector<640x1x128xf32>
    tpu.vector_store %arg11[%swap3A_164, %swap3A_165, %swap3A_166], %swap3A_169 {strides = array<i32>} : memref<640x24x128xf32, #tpu.memory_space<vmem>>, vector<640x1x128xf32>,
    %slice3A_170 = vector.extract_strided_slice %get3A_90 {offsets = [0, 38], sizes = [640, 5], strides = [1, 1]} : vector<640x361xf32> to vector<640x5xf32>
    %slice3A_171 = vector.extract_strided_slice %slice3A_170 {offsets = [0, 0], sizes = [640, 1], strides = [1, 1]} : vector<640x5xf32> to vector<640x1xf32>
    %squeeze3A_172 = vector.shape_cast %slice3A_171 : vector<640x1xf32> to vector<640xf32>
    %broadcast_in_dim3A_173 = vector.shape_cast %squeeze3A_172 : vector<640xf32> to vector<640x1xf32>
    %slice3A_174 = vector.extract_strided_slice %mul3A_87 {offsets = [0, 0], sizes = [640, 128], strides = [1, 1]} : vector<640x640xf32> to vector<640x128xf32>
    %mul3A_175 = vector.broadcast %broadcast_in_dim3A_173 : vector<640x1xf32> to vector<640x128xf32>
    %mul3A_176 = arith.mulf %mul3A_175, %slice3A_174 : vector<640x128xf32>
    %slice3A_177 = vector.extract_strided_slice %slice3A_170 {offsets = [0, 1], sizes = [640, 1], strides = [1, 1]} : vector<640x5xf32> to vector<640x1xf32>
    %squeeze3A_178 = vector.shape_cast %slice3A_177 : vector<640x1xf32> to vector<640xf32>
    %broadcast_in_dim3A_179 = vector.shape_cast %squeeze3A_178 : vector<640xf32> to vector<640x1xf32>
    %slice3A_180 = vector.extract_strided_slice %mul3A_87 {offsets = [0, 128], sizes = [640, 128], strides = [1, 1]} : vector<640x640xf32> to vector<640x128xf32>
    %mul3A_181 = vector.broadcast %broadcast_in_dim3A_179 : vector<640x1xf32> to vector<640x128xf32>
    %mul3A_182 = arith.mulf %mul3A_181, %slice3A_180 : vector<640x128xf32>
    %add3A_183 = arith.addf %mul3A_176, %mul3A_182 : vector<640x128xf32>
    %slice3A_184 = vector.extract_strided_slice %slice3A_170 {offsets = [0, 2], sizes = [640, 1], strides = [1, 1]} : vector<640x5xf32> to vector<640x1xf32>
    %squeeze3A_185 = vector.shape_cast %slice3A_184 : vector<640x1xf32> to vector<640xf32>
    %broadcast_in_dim3A_186 = vector.shape_cast %squeeze3A_185 : vector<640xf32> to vector<640x1xf32>
    %slice3A_187 = vector.extract_strided_slice %mul3A_87 {offsets = [0, 256], sizes = [640, 128], strides = [1, 1]} : vector<640x640xf32> to vector<640x128xf32>
    %mul3A_188 = vector.broadcast %broadcast_in_dim3A_186 : vector<640x1xf32> to vector<640x128xf32>
    %mul3A_189 = arith.mulf %mul3A_188, %slice3A_187 : vector<640x128xf32>
    %add3A_190 = arith.addf %add3A_183, %mul3A_189 : vector<640x128xf32>
    %slice3A_191 = vector.extract_strided_slice %slice3A_170 {offsets = [0, 3], sizes = [640, 1], strides = [1, 1]} : vector<640x5xf32> to vector<640x1xf32>
    %squeeze3A_192 = vector.shape_cast %slice3A_191 : vector<640x1xf32> to vector<640xf32>
    %broadcast_in_dim3A_193 = vector.shape_cast %squeeze3A_192 : vector<640xf32> to vector<640x1xf32>
    %slice3A_194 = vector.extract_strided_slice %mul3A_87 {offsets = [0, 384], sizes = [640, 128], strides = [1, 1]} : vector<640x640xf32> to vector<640x128xf32>
    %mul3A_195 = vector.broadcast %broadcast_in_dim3A_193 : vector<640x1xf32> to vector<640x128xf32>
    %mul3A_196 = arith.mulf %mul3A_195, %slice3A_194 : vector<640x128xf32>
    %add3A_197 = arith.addf %add3A_190, %mul3A_196 : vector<640x128xf32>
    %slice3A_198 = vector.extract_strided_slice %slice3A_170 {offsets = [0, 4], sizes = [640, 1], strides = [1, 1]} : vector<640x5xf32> to vector<640x1xf32>
    %squeeze3A_199 = vector.shape_cast %slice3A_198 : vector<640x1xf32> to vector<640xf32>
    %broadcast_in_dim3A_200 = vector.shape_cast %squeeze3A_199 : vector<640xf32> to vector<640x1xf32>
    %slice3A_201 = vector.extract_strided_slice %mul3A_87 {offsets = [0, 512], sizes = [640, 128], strides = [1, 1]} : vector<640x640xf32> to vector<640x128xf32>
    %mul3A_202 = vector.broadcast %broadcast_in_dim3A_200 : vector<640x1xf32> to vector<640x128xf32>
    %mul3A_203 = arith.mulf %mul3A_202, %slice3A_201 : vector<640x128xf32>
    %add3A_204 = arith.addf %add3A_197, %mul3A_203 : vector<640x128xf32>
    %swap3A_205 = arith.constant 0 : index
    %swap3A_206 = arith.constant 2 : index
    %swap3A_207 = arith.constant 0 : index
    %swap3A_208 = vector.load %arg11[%swap3A_205, %swap3A_206, %swap3A_207] : memref<640x24x128xf32, #tpu.memory_space<vmem>>, vector<640x1x128xf32>
    %swap3A_209 = vector.shape_cast %swap3A_208 : vector<640x1x128xf32> to vector<640x128xf32>
    %swap3A_210 = vector.shape_cast %add3A_204 : vector<640x128xf32> to vector<640x1x128xf32>
    tpu.vector_store %arg11[%swap3A_205, %swap3A_206, %swap3A_207], %swap3A_210 {strides = array<i32>} : memref<640x24x128xf32, #tpu.memory_space<vmem>>, vector<640x1x128xf32>,
    %slice3A_211 = vector.extract_strided_slice %get3A_90 {offsets = [0, 57], sizes = [640, 5], strides = [1, 1]} : vector<640x361xf32> to vector<640x5xf32>
    %slice3A_212 = vector.extract_strided_slice %slice3A_211 {offsets = [0, 0], sizes = [640, 1], strides = [1, 1]} : vector<640x5xf32> to vector<640x1xf32>
    %squeeze3A_213 = vector.shape_cast %slice3A_212 : vector<640x1xf32> to vector<640xf32>
    %broadcast_in_dim3A_214 = vector.shape_cast %squeeze3A_213 : vector<640xf32> to vector<640x1xf32>
    %slice3A_215 = vector.extract_strided_slice %mul3A_87 {offsets = [0, 0], sizes = [640, 128], strides = [1, 1]} : vector<640x640xf32> to vector<640x128xf32>
    %mul3A_216 = vector.broadcast %broadcast_in_dim3A_214 : vector<640x1xf32> to vector<640x128xf32>
    %mul3A_217 = arith.mulf %mul3A_216, %slice3A_215 : vector<640x128xf32>
    %slice3A_218 = vector.extract_strided_slice %slice3A_211 {offsets = [0, 1], sizes = [640, 1], strides = [1, 1]} : vector<640x5xf32> to vector<640x1xf32>
    %squeeze3A_219 = vector.shape_cast %slice3A_218 : vector<640x1xf32> to vector<640xf32>
    %broadcast_in_dim3A_220 = vector.shape_cast %squeeze3A_219 : vector<640xf32> to vector<640x1xf32>
    %slice3A_221 = vector.extract_strided_slice %mul3A_87 {offsets = [0, 128], sizes = [640, 128], strides = [1, 1]} : vector<640x640xf32> to vector<640x128xf32>
    %mul3A_222 = vector.broadcast %broadcast_in_dim3A_220 : vector<640x1xf32> to vector<640x128xf32>
    %mul3A_223 = arith.mulf %mul3A_222, %slice3A_221 : vector<640x128xf32>
    %add3A_224 = arith.addf %mul3A_217, %mul3A_223 : vector<640x128xf32>
    %slice3A_225 = vector.extract_strided_slice %slice3A_211 {offsets = [0, 2], sizes = [640, 1], strides = [1, 1]} : vector<640x5xf32> to vector<640x1xf32>
    %squeeze3A_226 = vector.shape_cast %slice3A_225 : vector<640x1xf32> to vector<640xf32>
    %broadcast_in_dim3A_227 = vector.shape_cast %squeeze3A_226 : vector<640xf32> to vector<640x1xf32>
    %slice3A_228 = vector.extract_strided_slice %mul3A_87 {offsets = [0, 256], sizes = [640, 128], strides = [1, 1]} : vector<640x640xf32> to vector<640x128xf32>
    %mul3A_229 = vector.broadcast %broadcast_in_dim3A_227 : vector<640x1xf32> to vector<640x128xf32>
    %mul3A_230 = arith.mulf %mul3A_229, %slice3A_228 : vector<640x128xf32>
    %add3A_231 = arith.addf %add3A_224, %mul3A_230 : vector<640x128xf32>
    %slice3A_232 = vector.extract_strided_slice %slice3A_211 {offsets = [0, 3], sizes = [640, 1], strides = [1, 1]} : vector<640x5xf32> to vector<640x1xf32>
    %squeeze3A_233 = vector.shape_cast %slice3A_232 : vector<640x1xf32> to vector<640xf32>
    %broadcast_in_dim3A_234 = vector.shape_cast %squeeze3A_233 : vector<640xf32> to vector<640x1xf32>
    %slice3A_235 = vector.extract_strided_slice %mul3A_87 {offsets = [0, 384], sizes = [640, 128], strides = [1, 1]} : vector<640x640xf32> to vector<640x128xf32>
    %mul3A_236 = vector.broadcast %broadcast_in_dim3A_234 : vector<640x1xf32> to vector<640x128xf32>
    %mul3A_237 = arith.mulf %mul3A_236, %slice3A_235 : vector<640x128xf32>
    %add3A_238 = arith.addf %add3A_231, %mul3A_237 : vector<640x128xf32>
    %slice3A_239 = vector.extract_strided_slice %slice3A_211 {offsets = [0, 4], sizes = [640, 1], strides = [1, 1]} : vector<640x5xf32> to vector<640x1xf32>
    %squeeze3A_240 = vector.shape_cast %slice3A_239 : vector<640x1xf32> to vector<640xf32>
    %broadcast_in_dim3A_241 = vector.shape_cast %squeeze3A_240 : vector<640xf32> to vector<640x1xf32>
    %slice3A_242 = vector.extract_strided_slice %mul3A_87 {offsets = [0, 512], sizes = [640, 128], strides = [1, 1]} : vector<640x640xf32> to vector<640x128xf32>
    %mul3A_243 = vector.broadcast %broadcast_in_dim3A_241 : vector<640x1xf32> to vector<640x128xf32>
    %mul3A_244 = arith.mulf %mul3A_243, %slice3A_242 : vector<640x128xf32>
    %add3A_245 = arith.addf %add3A_238, %mul3A_244 : vector<640x128xf32>
    %swap3A_246 = arith.constant 0 : index
    %swap3A_247 = arith.constant 3 : index
    %swap3A_248 = arith.constant 0 : index
    %swap3A_249 = vector.load %arg11[%swap3A_246, %swap3A_247, %swap3A_248] : memref<640x24x128xf32, #tpu.memory_space<vmem>>, vector<640x1x128xf32>
    %swap3A_250 = vector.shape_cast %swap3A_249 : vector<640x1x128xf32> to vector<640x128xf32>
    %swap3A_251 = vector.shape_cast %add3A_245 : vector<640x128xf32> to vector<640x1x128xf32>
    tpu.vector_store %arg11[%swap3A_246, %swap3A_247, %swap3A_248], %swap3A_251 {strides = array<i32>} : memref<640x24x128xf32, #tpu.memory_space<vmem>>, vector<640x1x128xf32>,
    %slice3A_252 = vector.extract_strided_slice %get3A_90 {offsets = [0, 76], sizes = [640, 5], strides = [1, 1]} : vector<640x361xf32> to vector<640x5xf32>
    %slice3A_253 = vector.extract_strided_slice %slice3A_252 {offsets = [0, 0], sizes = [640, 1], strides = [1, 1]} : vector<640x5xf32> to vector<640x1xf32>
    %squeeze3A_254 = vector.shape_cast %slice3A_253 : vector<640x1xf32> to vector<640xf32>
    %broadcast_in_dim3A_255 = vector.shape_cast %squeeze3A_254 : vector<640xf32> to vector<640x1xf32>
    %slice3A_256 = vector.extract_strided_slice %mul3A_87 {offsets = [0, 0], sizes = [640, 128], strides = [1, 1]} : vector<640x640xf32> to vector<640x128xf32>
    %mul3A_257 = vector.broadcast %broadcast_in_dim3A_255 : vector<640x1xf32> to vector<640x128xf32>
    %mul3A_258 = arith.mulf %mul3A_257, %slice3A_256 : vector<640x128xf32>
    %slice3A_259 = vector.extract_strided_slice %slice3A_252 {offsets = [0, 1], sizes = [640, 1], strides = [1, 1]} : vector<640x5xf32> to vector<640x1xf32>
    %squeeze3A_260 = vector.shape_cast %slice3A_259 : vector<640x1xf32> to vector<640xf32>
    %broadcast_in_dim3A_261 = vector.shape_cast %squeeze3A_260 : vector<640xf32> to vector<640x1xf32>
    %slice3A_262 = vector.extract_strided_slice %mul3A_87 {offsets = [0, 128], sizes = [640, 128], strides = [1, 1]} : vector<640x640xf32> to vector<640x128xf32>
    %mul3A_263 = vector.broadcast %broadcast_in_dim3A_261 : vector<640x1xf32> to vector<640x128xf32>
    %mul3A_264 = arith.mulf %mul3A_263, %slice3A_262 : vector<640x128xf32>
    %add3A_265 = arith.addf %mul3A_258, %mul3A_264 : vector<640x128xf32>
    %slice3A_266 = vector.extract_strided_slice %slice3A_252 {offsets = [0, 2], sizes = [640, 1], strides = [1, 1]} : vector<640x5xf32> to vector<640x1xf32>
    %squeeze3A_267 = vector.shape_cast %slice3A_266 : vector<640x1xf32> to vector<640xf32>
    %broadcast_in_dim3A_268 = vector.shape_cast %squeeze3A_267 : vector<640xf32> to vector<640x1xf32>
    %slice3A_269 = vector.extract_strided_slice %mul3A_87 {offsets = [0, 256], sizes = [640, 128], strides = [1, 1]} : vector<640x640xf32> to vector<640x128xf32>
    %mul3A_270 = vector.broadcast %broadcast_in_dim3A_268 : vector<640x1xf32> to vector<640x128xf32>
    %mul3A_271 = arith.mulf %mul3A_270, %slice3A_269 : vector<640x128xf32>
    %add3A_272 = arith.addf %add3A_265, %mul3A_271 : vector<640x128xf32>
    %slice3A_273 = vector.extract_strided_slice %slice3A_252 {offsets = [0, 3], sizes = [640, 1], strides = [1, 1]} : vector<640x5xf32> to vector<640x1xf32>
    %squeeze3A_274 = vector.shape_cast %slice3A_273 : vector<640x1xf32> to vector<640xf32>
    %broadcast_in_dim3A_275 = vector.shape_cast %squeeze3A_274 : vector<640xf32> to vector<640x1xf32>
    %slice3A_276 = vector.extract_strided_slice %mul3A_87 {offsets = [0, 384], sizes = [640, 128], strides = [1, 1]} : vector<640x640xf32> to vector<640x128xf32>
    %mul3A_277 = vector.broadcast %broadcast_in_dim3A_275 : vector<640x1xf32> to vector<640x128xf32>
    %mul3A_278 = arith.mulf %mul3A_277, %slice3A_276 : vector<640x128xf32>
    %add3A_279 = arith.addf %add3A_272, %mul3A_278 : vector<640x128xf32>
    %slice3A_280 = vector.extract_strided_slice %slice3A_252 {offsets = [0, 4], sizes = [640, 1], strides = [1, 1]} : vector<640x5xf32> to vector<640x1xf32>
    %squeeze3A_281 = vector.shape_cast %slice3A_280 : vector<640x1xf32> to vector<640xf32>
    %broadcast_in_dim3A_282 = vector.shape_cast %squeeze3A_281 : vector<640xf32> to vector<640x1xf32>
    %slice3A_283 = vector.extract_strided_slice %mul3A_87 {offsets = [0, 512], sizes = [640, 128], strides = [1, 1]} : vector<640x640xf32> to vector<640x128xf32>
    %mul3A_284 = vector.broadcast %broadcast_in_dim3A_282 : vector<640x1xf32> to vector<640x128xf32>
    %mul3A_285 = arith.mulf %mul3A_284, %slice3A_283 : vector<640x128xf32>
    %add3A_286 = arith.addf %add3A_279, %mul3A_285 : vector<640x128xf32>
    %swap3A_287 = arith.constant 0 : index
    %swap3A_288 = arith.constant 4 : index
    %swap3A_289 = arith.constant 0 : index
    %swap3A_290 = vector.load %arg11[%swap3A_287, %swap3A_288, %swap3A_289] : memref<640x24x128xf32, #tpu.memory_space<vmem>>, vector<640x1x128xf32>
    %swap3A_291 = vector.shape_cast %swap3A_290 : vector<640x1x128xf32> to vector<640x128xf32>
    %swap3A_292 = vector.shape_cast %add3A_286 : vector<640x128xf32> to vector<640x1x128xf32>
    tpu.vector_store %arg11[%swap3A_287, %swap3A_288, %swap3A_289], %swap3A_292 {strides = array<i32>} : memref<640x24x128xf32, #tpu.memory_space<vmem>>, vector<640x1x128xf32>,
    %slice3A_293 = vector.extract_strided_slice %get3A_90 {offsets = [0, 95], sizes = [640, 5], strides = [1, 1]} : vector<640x361xf32> to vector<640x5xf32>
    %slice3A_294 = vector.extract_strided_slice %slice3A_293 {offsets = [0, 0], sizes = [640, 1], strides = [1, 1]} : vector<640x5xf32> to vector<640x1xf32>
    %squeeze3A_295 = vector.shape_cast %slice3A_294 : vector<640x1xf32> to vector<640xf32>
    %broadcast_in_dim3A_296 = vector.shape_cast %squeeze3A_295 : vector<640xf32> to vector<640x1xf32>
    %slice3A_297 = vector.extract_strided_slice %mul3A_87 {offsets = [0, 0], sizes = [640, 128], strides = [1, 1]} : vector<640x640xf32> to vector<640x128xf32>
    %mul3A_298 = vector.broadcast %broadcast_in_dim3A_296 : vector<640x1xf32> to vector<640x128xf32>
    %mul3A_299 = arith.mulf %mul3A_298, %slice3A_297 : vector<640x128xf32>
    %slice3A_300 = vector.extract_strided_slice %slice3A_293 {offsets = [0, 1], sizes = [640, 1], strides = [1, 1]} : vector<640x5xf32> to vector<640x1xf32>
    %squeeze3A_301 = vector.shape_cast %slice3A_300 : vector<640x1xf32> to vector<640xf32>
    %broadcast_in_dim3A_302 = vector.shape_cast %squeeze3A_301 : vector<640xf32> to vector<640x1xf32>
    %slice3A_303 = vector.extract_strided_slice %mul3A_87 {offsets = [0, 128], sizes = [640, 128], strides = [1, 1]} : vector<640x640xf32> to vector<640x128xf32>
    %mul3A_304 = vector.broadcast %broadcast_in_dim3A_302 : vector<640x1xf32> to vector<640x128xf32>
    %mul3A_305 = arith.mulf %mul3A_304, %slice3A_303 : vector<640x128xf32>
    %add3A_306 = arith.addf %mul3A_299, %mul3A_305 : vector<640x128xf32>
    %slice3A_307 = vector.extract_strided_slice %slice3A_293 {offsets = [0, 2], sizes = [640, 1], strides = [1, 1]} : vector<640x5xf32> to vector<640x1xf32>
    %squeeze3A_308 = vector.shape_cast %slice3A_307 : vector<640x1xf32> to vector<640xf32>
    %broadcast_in_dim3A_309 = vector.shape_cast %squeeze3A_308 : vector<640xf32> to vector<640x1xf32>
    %slice3A_310 = vector.extract_strided_slice %mul3A_87 {offsets = [0, 256], sizes = [640, 128], strides = [1, 1]} : vector<640x640xf32> to vector<640x128xf32>
    %mul3A_311 = vector.broadcast %broadcast_in_dim3A_309 : vector<640x1xf32> to vector<640x128xf32>
    %mul3A_312 = arith.mulf %mul3A_311, %slice3A_310 : vector<640x128xf32>
    %add3A_313 = arith.addf %add3A_306, %mul3A_312 : vector<640x128xf32>
    %slice3A_314 = vector.extract_strided_slice %slice3A_293 {offsets = [0, 3], sizes = [640, 1], strides = [1, 1]} : vector<640x5xf32> to vector<640x1xf32>
    %squeeze3A_315 = vector.shape_cast %slice3A_314 : vector<640x1xf32> to vector<640xf32>
    %broadcast_in_dim3A_316 = vector.shape_cast %squeeze3A_315 : vector<640xf32> to vector<640x1xf32>
    %slice3A_317 = vector.extract_strided_slice %mul3A_87 {offsets = [0, 384], sizes = [640, 128], strides = [1, 1]} : vector<640x640xf32> to vector<640x128xf32>
    %mul3A_318 = vector.broadcast %broadcast_in_dim3A_316 : vector<640x1xf32> to vector<640x128xf32>
    %mul3A_319 = arith.mulf %mul3A_318, %slice3A_317 : vector<640x128xf32>
    %add3A_320 = arith.addf %add3A_313, %mul3A_319 : vector<640x128xf32>
    %slice3A_321 = vector.extract_strided_slice %slice3A_293 {offsets = [0, 4], sizes = [640, 1], strides = [1, 1]} : vector<640x5xf32> to vector<640x1xf32>
    %squeeze3A_322 = vector.shape_cast %slice3A_321 : vector<640x1xf32> to vector<640xf32>
    %broadcast_in_dim3A_323 = vector.shape_cast %squeeze3A_322 : vector<640xf32> to vector<640x1xf32>
    %slice3A_324 = vector.extract_strided_slice %mul3A_87 {offsets = [0, 512], sizes = [640, 128], strides = [1, 1]} : vector<640x640xf32> to vector<640x128xf32>
    %mul3A_325 = vector.broadcast %broadcast_in_dim3A_323 : vector<640x1xf32> to vector<640x128xf32>
    %mul3A_326 = arith.mulf %mul3A_325, %slice3A_324 : vector<640x128xf32>
    %add3A_327 = arith.addf %add3A_320, %mul3A_326 : vector<640x128xf32>
    %swap3A_328 = arith.constant 0 : index
    %swap3A_329 = arith.constant 5 : index
    %swap3A_330 = arith.constant 0 : index
    %swap3A_331 = vector.load %arg11[%swap3A_328, %swap3A_329, %swap3A_330] : memref<640x24x128xf32, #tpu.memory_space<vmem>>, vector<640x1x128xf32>
    %swap3A_332 = vector.shape_cast %swap3A_331 : vector<640x1x128xf32> to vector<640x128xf32>
    %swap3A_333 = vector.shape_cast %add3A_327 : vector<640x128xf32> to vector<640x1x128xf32>
    tpu.vector_store %arg11[%swap3A_328, %swap3A_329, %swap3A_330], %swap3A_333 {strides = array<i32>} : memref<640x24x128xf32, #tpu.memory_space<vmem>>, vector<640x1x128xf32>,
    %slice3A_334 = vector.extract_strided_slice %get3A_90 {offsets = [0, 114], sizes = [640, 5], strides = [1, 1]} : vector<640x361xf32> to vector<640x5xf32>
    %slice3A_335 = vector.extract_strided_slice %slice3A_334 {offsets = [0, 0], sizes = [640, 1], strides = [1, 1]} : vector<640x5xf32> to vector<640x1xf32>
    %squeeze3A_336 = vector.shape_cast %slice3A_335 : vector<640x1xf32> to vector<640xf32>
    %broadcast_in_dim3A_337 = vector.shape_cast %squeeze3A_336 : vector<640xf32> to vector<640x1xf32>
    %slice3A_338 = vector.extract_strided_slice %mul3A_87 {offsets = [0, 0], sizes = [640, 128], strides = [1, 1]} : vector<640x640xf32> to vector<640x128xf32>
    %mul3A_339 = vector.broadcast %broadcast_in_dim3A_337 : vector<640x1xf32> to vector<640x128xf32>
    %mul3A_340 = arith.mulf %mul3A_339, %slice3A_338 : vector<640x128xf32>
    %slice3A_341 = vector.extract_strided_slice %slice3A_334 {offsets = [0, 1], sizes = [640, 1], strides = [1, 1]} : vector<640x5xf32> to vector<640x1xf32>
    %squeeze3A_342 = vector.shape_cast %slice3A_341 : vector<640x1xf32> to vector<640xf32>
    %broadcast_in_dim3A_343 = vector.shape_cast %squeeze3A_342 : vector<640xf32> to vector<640x1xf32>
    %slice3A_344 = vector.extract_strided_slice %mul3A_87 {offsets = [0, 128], sizes = [640, 128], strides = [1, 1]} : vector<640x640xf32> to vector<640x128xf32>
    %mul3A_345 = vector.broadcast %broadcast_in_dim3A_343 : vector<640x1xf32> to vector<640x128xf32>
    %mul3A_346 = arith.mulf %mul3A_345, %slice3A_344 : vector<640x128xf32>
    %add3A_347 = arith.addf %mul3A_340, %mul3A_346 : vector<640x128xf32>
    %slice3A_348 = vector.extract_strided_slice %slice3A_334 {offsets = [0, 2], sizes = [640, 1], strides = [1, 1]} : vector<640x5xf32> to vector<640x1xf32>
    %squeeze3A_349 = vector.shape_cast %slice3A_348 : vector<640x1xf32> to vector<640xf32>
    %broadcast_in_dim3A_350 = vector.shape_cast %squeeze3A_349 : vector<640xf32> to vector<640x1xf32>
    %slice3A_351 = vector.extract_strided_slice %mul3A_87 {offsets = [0, 256], sizes = [640, 128], strides = [1, 1]} : vector<640x640xf32> to vector<640x128xf32>
    %mul3A_352 = vector.broadcast %broadcast_in_dim3A_350 : vector<640x1xf32> to vector<640x128xf32>
    %mul3A_353 = arith.mulf %mul3A_352, %slice3A_351 : vector<640x128xf32>
    %add3A_354 = arith.addf %add3A_347, %mul3A_353 : vector<640x128xf32>
    %slice3A_355 = vector.extract_strided_slice %slice3A_334 {offsets = [0, 3], sizes = [640, 1], strides = [1, 1]} : vector<640x5xf32> to vector<640x1xf32>
    %squeeze3A_356 = vector.shape_cast %slice3A_355 : vector<640x1xf32> to vector<640xf32>
    %broadcast_in_dim3A_357 = vector.shape_cast %squeeze3A_356 : vector<640xf32> to vector<640x1xf32>
    %slice3A_358 = vector.extract_strided_slice %mul3A_87 {offsets = [0, 384], sizes = [640, 128], strides = [1, 1]} : vector<640x640xf32> to vector<640x128xf32>
    %mul3A_359 = vector.broadcast %broadcast_in_dim3A_357 : vector<640x1xf32> to vector<640x128xf32>
    %mul3A_360 = arith.mulf %mul3A_359, %slice3A_358 : vector<640x128xf32>
    %add3A_361 = arith.addf %add3A_354, %mul3A_360 : vector<640x128xf32>
    %slice3A_362 = vector.extract_strided_slice %slice3A_334 {offsets = [0, 4], sizes = [640, 1], strides = [1, 1]} : vector<640x5xf32> to vector<640x1xf32>
    %squeeze3A_363 = vector.shape_cast %slice3A_362 : vector<640x1xf32> to vector<640xf32>
    %broadcast_in_dim3A_364 = vector.shape_cast %squeeze3A_363 : vector<640xf32> to vector<640x1xf32>
    %slice3A_365 = vector.extract_strided_slice %mul3A_87 {offsets = [0, 512], sizes = [640, 128], strides = [1, 1]} : vector<640x640xf32> to vector<640x128xf32>
    %mul3A_366 = vector.broadcast %broadcast_in_dim3A_364 : vector<640x1xf32> to vector<640x128xf32>
    %mul3A_367 = arith.mulf %mul3A_366, %slice3A_365 : vector<640x128xf32>
    %add3A_368 = arith.addf %add3A_361, %mul3A_367 : vector<640x128xf32>
    %swap3A_369 = arith.constant 0 : index
    %swap3A_370 = arith.constant 6 : index
    %swap3A_371 = arith.constant 0 : index
    %swap3A_372 = vector.load %arg11[%swap3A_369, %swap3A_370, %swap3A_371] : memref<640x24x128xf32, #tpu.memory_space<vmem>>, vector<640x1x128xf32>
    %swap3A_373 = vector.shape_cast %swap3A_372 : vector<640x1x128xf32> to vector<640x128xf32>
    %swap3A_374 = vector.shape_cast %add3A_368 : vector<640x128xf32> to vector<640x1x128xf32>
    tpu.vector_store %arg11[%swap3A_369, %swap3A_370, %swap3A_371], %swap3A_374 {strides = array<i32>} : memref<640x24x128xf32, #tpu.memory_space<vmem>>, vector<640x1x128xf32>,
    %slice3A_375 = vector.extract_strided_slice %get3A_90 {offsets = [0, 133], sizes = [640, 5], strides = [1, 1]} : vector<640x361xf32> to vector<640x5xf32>
    %slice3A_376 = vector.extract_strided_slice %slice3A_375 {offsets = [0, 0], sizes = [640, 1], strides = [1, 1]} : vector<640x5xf32> to vector<640x1xf32>
    %squeeze3A_377 = vector.shape_cast %slice3A_376 : vector<640x1xf32> to vector<640xf32>
    %broadcast_in_dim3A_378 = vector.shape_cast %squeeze3A_377 : vector<640xf32> to vector<640x1xf32>
    %slice3A_379 = vector.extract_strided_slice %mul3A_87 {offsets = [0, 0], sizes = [640, 128], strides = [1, 1]} : vector<640x640xf32> to vector<640x128xf32>
    %mul3A_380 = vector.broadcast %broadcast_in_dim3A_378 : vector<640x1xf32> to vector<640x128xf32>
    %mul3A_381 = arith.mulf %mul3A_380, %slice3A_379 : vector<640x128xf32>
    %slice3A_382 = vector.extract_strided_slice %slice3A_375 {offsets = [0, 1], sizes = [640, 1], strides = [1, 1]} : vector<640x5xf32> to vector<640x1xf32>
    %squeeze3A_383 = vector.shape_cast %slice3A_382 : vector<640x1xf32> to vector<640xf32>
    %broadcast_in_dim3A_384 = vector.shape_cast %squeeze3A_383 : vector<640xf32> to vector<640x1xf32>
    %slice3A_385 = vector.extract_strided_slice %mul3A_87 {offsets = [0, 128], sizes = [640, 128], strides = [1, 1]} : vector<640x640xf32> to vector<640x128xf32>
    %mul3A_386 = vector.broadcast %broadcast_in_dim3A_384 : vector<640x1xf32> to vector<640x128xf32>
    %mul3A_387 = arith.mulf %mul3A_386, %slice3A_385 : vector<640x128xf32>
    %add3A_388 = arith.addf %mul3A_381, %mul3A_387 : vector<640x128xf32>
    %slice3A_389 = vector.extract_strided_slice %slice3A_375 {offsets = [0, 2], sizes = [640, 1], strides = [1, 1]} : vector<640x5xf32> to vector<640x1xf32>
    %squeeze3A_390 = vector.shape_cast %slice3A_389 : vector<640x1xf32> to vector<640xf32>
    %broadcast_in_dim3A_391 = vector.shape_cast %squeeze3A_390 : vector<640xf32> to vector<640x1xf32>
    %slice3A_392 = vector.extract_strided_slice %mul3A_87 {offsets = [0, 256], sizes = [640, 128], strides = [1, 1]} : vector<640x640xf32> to vector<640x128xf32>
    %mul3A_393 = vector.broadcast %broadcast_in_dim3A_391 : vector<640x1xf32> to vector<640x128xf32>
    %mul3A_394 = arith.mulf %mul3A_393, %slice3A_392 : vector<640x128xf32>
    %add3A_395 = arith.addf %add3A_388, %mul3A_394 : vector<640x128xf32>
    %slice3A_396 = vector.extract_strided_slice %slice3A_375 {offsets = [0, 3], sizes = [640, 1], strides = [1, 1]} : vector<640x5xf32> to vector<640x1xf32>
    %squeeze3A_397 = vector.shape_cast %slice3A_396 : vector<640x1xf32> to vector<640xf32>
    %broadcast_in_dim3A_398 = vector.shape_cast %squeeze3A_397 : vector<640xf32> to vector<640x1xf32>
    %slice3A_399 = vector.extract_strided_slice %mul3A_87 {offsets = [0, 384], sizes = [640, 128], strides = [1, 1]} : vector<640x640xf32> to vector<640x128xf32>
    %mul3A_400 = vector.broadcast %broadcast_in_dim3A_398 : vector<640x1xf32> to vector<640x128xf32>
    %mul3A_401 = arith.mulf %mul3A_400, %slice3A_399 : vector<640x128xf32>
    %add3A_402 = arith.addf %add3A_395, %mul3A_401 : vector<640x128xf32>
    %slice3A_403 = vector.extract_strided_slice %slice3A_375 {offsets = [0, 4], sizes = [640, 1], strides = [1, 1]} : vector<640x5xf32> to vector<640x1xf32>
    %squeeze3A_404 = vector.shape_cast %slice3A_403 : vector<640x1xf32> to vector<640xf32>
    %broadcast_in_dim3A_405 = vector.shape_cast %squeeze3A_404 : vector<640xf32> to vector<640x1xf32>
    %slice3A_406 = vector.extract_strided_slice %mul3A_87 {offsets = [0, 512], sizes = [640, 128], strides = [1, 1]} : vector<640x640xf32> to vector<640x128xf32>
    %mul3A_407 = vector.broadcast %broadcast_in_dim3A_405 : vector<640x1xf32> to vector<640x128xf32>
    %mul3A_408 = arith.mulf %mul3A_407, %slice3A_406 : vector<640x128xf32>
    %add3A_409 = arith.addf %add3A_402, %mul3A_408 : vector<640x128xf32>
    %swap3A_410 = arith.constant 0 : index
    %swap3A_411 = arith.constant 7 : index
    %swap3A_412 = arith.constant 0 : index
    %swap3A_413 = vector.load %arg11[%swap3A_410, %swap3A_411, %swap3A_412] : memref<640x24x128xf32, #tpu.memory_space<vmem>>, vector<640x1x128xf32>
    %swap3A_414 = vector.shape_cast %swap3A_413 : vector<640x1x128xf32> to vector<640x128xf32>
    %swap3A_415 = vector.shape_cast %add3A_409 : vector<640x128xf32> to vector<640x1x128xf32>
    tpu.vector_store %arg11[%swap3A_410, %swap3A_411, %swap3A_412], %swap3A_415 {strides = array<i32>} : memref<640x24x128xf32, #tpu.memory_space<vmem>>, vector<640x1x128xf32>,
    %slice3A_416 = vector.extract_strided_slice %get3A_90 {offsets = [0, 152], sizes = [640, 5], strides = [1, 1]} : vector<640x361xf32> to vector<640x5xf32>
    %slice3A_417 = vector.extract_strided_slice %slice3A_416 {offsets = [0, 0], sizes = [640, 1], strides = [1, 1]} : vector<640x5xf32> to vector<640x1xf32>
    %squeeze3A_418 = vector.shape_cast %slice3A_417 : vector<640x1xf32> to vector<640xf32>
    %broadcast_in_dim3A_419 = vector.shape_cast %squeeze3A_418 : vector<640xf32> to vector<640x1xf32>
    %slice3A_420 = vector.extract_strided_slice %mul3A_87 {offsets = [0, 0], sizes = [640, 128], strides = [1, 1]} : vector<640x640xf32> to vector<640x128xf32>
    %mul3A_421 = vector.broadcast %broadcast_in_dim3A_419 : vector<640x1xf32> to vector<640x128xf32>
    %mul3A_422 = arith.mulf %mul3A_421, %slice3A_420 : vector<640x128xf32>
    %slice3A_423 = vector.extract_strided_slice %slice3A_416 {offsets = [0, 1], sizes = [640, 1], strides = [1, 1]} : vector<640x5xf32> to vector<640x1xf32>
    %squeeze3A_424 = vector.shape_cast %slice3A_423 : vector<640x1xf32> to vector<640xf32>
    %broadcast_in_dim3A_425 = vector.shape_cast %squeeze3A_424 : vector<640xf32> to vector<640x1xf32>
    %slice3A_426 = vector.extract_strided_slice %mul3A_87 {offsets = [0, 128], sizes = [640, 128], strides = [1, 1]} : vector<640x640xf32> to vector<640x128xf32>
    %mul3A_427 = vector.broadcast %broadcast_in_dim3A_425 : vector<640x1xf32> to vector<640x128xf32>
    %mul3A_428 = arith.mulf %mul3A_427, %slice3A_426 : vector<640x128xf32>
    %add3A_429 = arith.addf %mul3A_422, %mul3A_428 : vector<640x128xf32>
    %slice3A_430 = vector.extract_strided_slice %slice3A_416 {offsets = [0, 2], sizes = [640, 1], strides = [1, 1]} : vector<640x5xf32> to vector<640x1xf32>
    %squeeze3A_431 = vector.shape_cast %slice3A_430 : vector<640x1xf32> to vector<640xf32>
    %broadcast_in_dim3A_432 = vector.shape_cast %squeeze3A_431 : vector<640xf32> to vector<640x1xf32>
    %slice3A_433 = vector.extract_strided_slice %mul3A_87 {offsets = [0, 256], sizes = [640, 128], strides = [1, 1]} : vector<640x640xf32> to vector<640x128xf32>
    %mul3A_434 = vector.broadcast %broadcast_in_dim3A_432 : vector<640x1xf32> to vector<640x128xf32>
    %mul3A_435 = arith.mulf %mul3A_434, %slice3A_433 : vector<640x128xf32>
    %add3A_436 = arith.addf %add3A_429, %mul3A_435 : vector<640x128xf32>
    %slice3A_437 = vector.extract_strided_slice %slice3A_416 {offsets = [0, 3], sizes = [640, 1], strides = [1, 1]} : vector<640x5xf32> to vector<640x1xf32>
    %squeeze3A_438 = vector.shape_cast %slice3A_437 : vector<640x1xf32> to vector<640xf32>
    %broadcast_in_dim3A_439 = vector.shape_cast %squeeze3A_438 : vector<640xf32> to vector<640x1xf32>
    %slice3A_440 = vector.extract_strided_slice %mul3A_87 {offsets = [0, 384], sizes = [640, 128], strides = [1, 1]} : vector<640x640xf32> to vector<640x128xf32>
    %mul3A_441 = vector.broadcast %broadcast_in_dim3A_439 : vector<640x1xf32> to vector<640x128xf32>
    %mul3A_442 = arith.mulf %mul3A_441, %slice3A_440 : vector<640x128xf32>
    %add3A_443 = arith.addf %add3A_436, %mul3A_442 : vector<640x128xf32>
    %slice3A_444 = vector.extract_strided_slice %slice3A_416 {offsets = [0, 4], sizes = [640, 1], strides = [1, 1]} : vector<640x5xf32> to vector<640x1xf32>
    %squeeze3A_445 = vector.shape_cast %slice3A_444 : vector<640x1xf32> to vector<640xf32>
    %broadcast_in_dim3A_446 = vector.shape_cast %squeeze3A_445 : vector<640xf32> to vector<640x1xf32>
    %slice3A_447 = vector.extract_strided_slice %mul3A_87 {offsets = [0, 512], sizes = [640, 128], strides = [1, 1]} : vector<640x640xf32> to vector<640x128xf32>
    %mul3A_448 = vector.broadcast %broadcast_in_dim3A_446 : vector<640x1xf32> to vector<640x128xf32>
    %mul3A_449 = arith.mulf %mul3A_448, %slice3A_447 : vector<640x128xf32>
    %add3A_450 = arith.addf %add3A_443, %mul3A_449 : vector<640x128xf32>
    %swap3A_451 = arith.constant 0 : index
    %swap3A_452 = arith.constant 8 : index
    %swap3A_453 = arith.constant 0 : index
    %swap3A_454 = vector.load %arg11[%swap3A_451, %swap3A_452, %swap3A_453] : memref<640x24x128xf32, #tpu.memory_space<vmem>>, vector<640x1x128xf32>
    %swap3A_455 = vector.shape_cast %swap3A_454 : vector<640x1x128xf32> to vector<640x128xf32>
    %swap3A_456 = vector.shape_cast %add3A_450 : vector<640x128xf32> to vector<640x1x128xf32>
    tpu.vector_store %arg11[%swap3A_451, %swap3A_452, %swap3A_453], %swap3A_456 {strides = array<i32>} : memref<640x24x128xf32, #tpu.memory_space<vmem>>, vector<640x1x128xf32>,
    %slice3A_457 = vector.extract_strided_slice %get3A_90 {offsets = [0, 171], sizes = [640, 5], strides = [1, 1]} : vector<640x361xf32> to vector<640x5xf32>
    %slice3A_458 = vector.extract_strided_slice %slice3A_457 {offsets = [0, 0], sizes = [640, 1], strides = [1, 1]} : vector<640x5xf32> to vector<640x1xf32>
    %squeeze3A_459 = vector.shape_cast %slice3A_458 : vector<640x1xf32> to vector<640xf32>
    %broadcast_in_dim3A_460 = vector.shape_cast %squeeze3A_459 : vector<640xf32> to vector<640x1xf32>
    %slice3A_461 = vector.extract_strided_slice %mul3A_87 {offsets = [0, 0], sizes = [640, 128], strides = [1, 1]} : vector<640x640xf32> to vector<640x128xf32>
    %mul3A_462 = vector.broadcast %broadcast_in_dim3A_460 : vector<640x1xf32> to vector<640x128xf32>
    %mul3A_463 = arith.mulf %mul3A_462, %slice3A_461 : vector<640x128xf32>
    %slice3A_464 = vector.extract_strided_slice %slice3A_457 {offsets = [0, 1], sizes = [640, 1], strides = [1, 1]} : vector<640x5xf32> to vector<640x1xf32>
    %squeeze3A_465 = vector.shape_cast %slice3A_464 : vector<640x1xf32> to vector<640xf32>
    %broadcast_in_dim3A_466 = vector.shape_cast %squeeze3A_465 : vector<640xf32> to vector<640x1xf32>
    %slice3A_467 = vector.extract_strided_slice %mul3A_87 {offsets = [0, 128], sizes = [640, 128], strides = [1, 1]} : vector<640x640xf32> to vector<640x128xf32>
    %mul3A_468 = vector.broadcast %broadcast_in_dim3A_466 : vector<640x1xf32> to vector<640x128xf32>
    %mul3A_469 = arith.mulf %mul3A_468, %slice3A_467 : vector<640x128xf32>
    %add3A_470 = arith.addf %mul3A_463, %mul3A_469 : vector<640x128xf32>
    %slice3A_471 = vector.extract_strided_slice %slice3A_457 {offsets = [0, 2], sizes = [640, 1], strides = [1, 1]} : vector<640x5xf32> to vector<640x1xf32>
    %squeeze3A_472 = vector.shape_cast %slice3A_471 : vector<640x1xf32> to vector<640xf32>
    %broadcast_in_dim3A_473 = vector.shape_cast %squeeze3A_472 : vector<640xf32> to vector<640x1xf32>
    %slice3A_474 = vector.extract_strided_slice %mul3A_87 {offsets = [0, 256], sizes = [640, 128], strides = [1, 1]} : vector<640x640xf32> to vector<640x128xf32>
    %mul3A_475 = vector.broadcast %broadcast_in_dim3A_473 : vector<640x1xf32> to vector<640x128xf32>
    %mul3A_476 = arith.mulf %mul3A_475, %slice3A_474 : vector<640x128xf32>
    %add3A_477 = arith.addf %add3A_470, %mul3A_476 : vector<640x128xf32>
    %slice3A_478 = vector.extract_strided_slice %slice3A_457 {offsets = [0, 3], sizes = [640, 1], strides = [1, 1]} : vector<640x5xf32> to vector<640x1xf32>
    %squeeze3A_479 = vector.shape_cast %slice3A_478 : vector<640x1xf32> to vector<640xf32>
    %broadcast_in_dim3A_480 = vector.shape_cast %squeeze3A_479 : vector<640xf32> to vector<640x1xf32>
    %slice3A_481 = vector.extract_strided_slice %mul3A_87 {offsets = [0, 384], sizes = [640, 128], strides = [1, 1]} : vector<640x640xf32> to vector<640x128xf32>
    %mul3A_482 = vector.broadcast %broadcast_in_dim3A_480 : vector<640x1xf32> to vector<640x128xf32>
    %mul3A_483 = arith.mulf %mul3A_482, %slice3A_481 : vector<640x128xf32>
    %add3A_484 = arith.addf %add3A_477, %mul3A_483 : vector<640x128xf32>
    %slice3A_485 = vector.extract_strided_slice %slice3A_457 {offsets = [0, 4], sizes = [640, 1], strides = [1, 1]} : vector<640x5xf32> to vector<640x1xf32>
    %squeeze3A_486 = vector.shape_cast %slice3A_485 : vector<640x1xf32> to vector<640xf32>
    %broadcast_in_dim3A_487 = vector.shape_cast %squeeze3A_486 : vector<640xf32> to vector<640x1xf32>
    %slice3A_488 = vector.extract_strided_slice %mul3A_87 {offsets = [0, 512], sizes = [640, 128], strides = [1, 1]} : vector<640x640xf32> to vector<640x128xf32>
    %mul3A_489 = vector.broadcast %broadcast_in_dim3A_487 : vector<640x1xf32> to vector<640x128xf32>
    %mul3A_490 = arith.mulf %mul3A_489, %slice3A_488 : vector<640x128xf32>
    %add3A_491 = arith.addf %add3A_484, %mul3A_490 : vector<640x128xf32>
    %swap3A_492 = arith.constant 0 : index
    %swap3A_493 = arith.constant 9 : index
    %swap3A_494 = arith.constant 0 : index
    %swap3A_495 = vector.load %arg11[%swap3A_492, %swap3A_493, %swap3A_494] : memref<640x24x128xf32, #tpu.memory_space<vmem>>, vector<640x1x128xf32>
    %swap3A_496 = vector.shape_cast %swap3A_495 : vector<640x1x128xf32> to vector<640x128xf32>
    %swap3A_497 = vector.shape_cast %add3A_491 : vector<640x128xf32> to vector<640x1x128xf32>
    tpu.vector_store %arg11[%swap3A_492, %swap3A_493, %swap3A_494], %swap3A_497 {strides = array<i32>} : memref<640x24x128xf32, #tpu.memory_space<vmem>>, vector<640x1x128xf32>,
    %slice3A_498 = vector.extract_strided_slice %get3A_90 {offsets = [0, 190], sizes = [640, 5], strides = [1, 1]} : vector<640x361xf32> to vector<640x5xf32>
    %slice3A_499 = vector.extract_strided_slice %slice3A_498 {offsets = [0, 0], sizes = [640, 1], strides = [1, 1]} : vector<640x5xf32> to vector<640x1xf32>
    %squeeze3A_500 = vector.shape_cast %slice3A_499 : vector<640x1xf32> to vector<640xf32>
    %broadcast_in_dim3A_501 = vector.shape_cast %squeeze3A_500 : vector<640xf32> to vector<640x1xf32>
    %slice3A_502 = vector.extract_strided_slice %mul3A_87 {offsets = [0, 0], sizes = [640, 128], strides = [1, 1]} : vector<640x640xf32> to vector<640x128xf32>
    %mul3A_503 = vector.broadcast %broadcast_in_dim3A_501 : vector<640x1xf32> to vector<640x128xf32>
    %mul3A_504 = arith.mulf %mul3A_503, %slice3A_502 : vector<640x128xf32>
    %slice3A_505 = vector.extract_strided_slice %slice3A_498 {offsets = [0, 1], sizes = [640, 1], strides = [1, 1]} : vector<640x5xf32> to vector<640x1xf32>
    %squeeze3A_506 = vector.shape_cast %slice3A_505 : vector<640x1xf32> to vector<640xf32>
    %broadcast_in_dim3A_507 = vector.shape_cast %squeeze3A_506 : vector<640xf32> to vector<640x1xf32>
    %slice3A_508 = vector.extract_strided_slice %mul3A_87 {offsets = [0, 128], sizes = [640, 128], strides = [1, 1]} : vector<640x640xf32> to vector<640x128xf32>
    %mul3A_509 = vector.broadcast %broadcast_in_dim3A_507 : vector<640x1xf32> to vector<640x128xf32>
    %mul3A_510 = arith.mulf %mul3A_509, %slice3A_508 : vector<640x128xf32>
    %add3A_511 = arith.addf %mul3A_504, %mul3A_510 : vector<640x128xf32>
    %slice3A_512 = vector.extract_strided_slice %slice3A_498 {offsets = [0, 2], sizes = [640, 1], strides = [1, 1]} : vector<640x5xf32> to vector<640x1xf32>
    %squeeze3A_513 = vector.shape_cast %slice3A_512 : vector<640x1xf32> to vector<640xf32>
    %broadcast_in_dim3A_514 = vector.shape_cast %squeeze3A_513 : vector<640xf32> to vector<640x1xf32>
    %slice3A_515 = vector.extract_strided_slice %mul3A_87 {offsets = [0, 256], sizes = [640, 128], strides = [1, 1]} : vector<640x640xf32> to vector<640x128xf32>
    %mul3A_516 = vector.broadcast %broadcast_in_dim3A_514 : vector<640x1xf32> to vector<640x128xf32>
    %mul3A_517 = arith.mulf %mul3A_516, %slice3A_515 : vector<640x128xf32>
    %add3A_518 = arith.addf %add3A_511, %mul3A_517 : vector<640x128xf32>
    %slice3A_519 = vector.extract_strided_slice %slice3A_498 {offsets = [0, 3], sizes = [640, 1], strides = [1, 1]} : vector<640x5xf32> to vector<640x1xf32>
    %squeeze3A_520 = vector.shape_cast %slice3A_519 : vector<640x1xf32> to vector<640xf32>
    %broadcast_in_dim3A_521 = vector.shape_cast %squeeze3A_520 : vector<640xf32> to vector<640x1xf32>
    %slice3A_522 = vector.extract_strided_slice %mul3A_87 {offsets = [0, 384], sizes = [640, 128], strides = [1, 1]} : vector<640x640xf32> to vector<640x128xf32>
    %mul3A_523 = vector.broadcast %broadcast_in_dim3A_521 : vector<640x1xf32> to vector<640x128xf32>
    %mul3A_524 = arith.mulf %mul3A_523, %slice3A_522 : vector<640x128xf32>
    %add3A_525 = arith.addf %add3A_518, %mul3A_524 : vector<640x128xf32>
    %slice3A_526 = vector.extract_strided_slice %slice3A_498 {offsets = [0, 4], sizes = [640, 1], strides = [1, 1]} : vector<640x5xf32> to vector<640x1xf32>
    %squeeze3A_527 = vector.shape_cast %slice3A_526 : vector<640x1xf32> to vector<640xf32>
    %broadcast_in_dim3A_528 = vector.shape_cast %squeeze3A_527 : vector<640xf32> to vector<640x1xf32>
    %slice3A_529 = vector.extract_strided_slice %mul3A_87 {offsets = [0, 512], sizes = [640, 128], strides = [1, 1]} : vector<640x640xf32> to vector<640x128xf32>
    %mul3A_530 = vector.broadcast %broadcast_in_dim3A_528 : vector<640x1xf32> to vector<640x128xf32>
    %mul3A_531 = arith.mulf %mul3A_530, %slice3A_529 : vector<640x128xf32>
    %add3A_532 = arith.addf %add3A_525, %mul3A_531 : vector<640x128xf32>
    %swap3A_533 = arith.constant 0 : index
    %swap3A_534 = arith.constant 10 : index
    %swap3A_535 = arith.constant 0 : index
    %swap3A_536 = vector.load %arg11[%swap3A_533, %swap3A_534, %swap3A_535] : memref<640x24x128xf32, #tpu.memory_space<vmem>>, vector<640x1x128xf32>
    %swap3A_537 = vector.shape_cast %swap3A_536 : vector<640x1x128xf32> to vector<640x128xf32>
    %swap3A_538 = vector.shape_cast %add3A_532 : vector<640x128xf32> to vector<640x1x128xf32>
    tpu.vector_store %arg11[%swap3A_533, %swap3A_534, %swap3A_535], %swap3A_538 {strides = array<i32>} : memref<640x24x128xf32, #tpu.memory_space<vmem>>, vector<640x1x128xf32>,
    %slice3A_539 = vector.extract_strided_slice %get3A_90 {offsets = [0, 209], sizes = [640, 5], strides = [1, 1]} : vector<640x361xf32> to vector<640x5xf32>
    %slice3A_540 = vector.extract_strided_slice %slice3A_539 {offsets = [0, 0], sizes = [640, 1], strides = [1, 1]} : vector<640x5xf32> to vector<640x1xf32>
    %squeeze3A_541 = vector.shape_cast %slice3A_540 : vector<640x1xf32> to vector<640xf32>
    %broadcast_in_dim3A_542 = vector.shape_cast %squeeze3A_541 : vector<640xf32> to vector<640x1xf32>
    %slice3A_543 = vector.extract_strided_slice %mul3A_87 {offsets = [0, 0], sizes = [640, 128], strides = [1, 1]} : vector<640x640xf32> to vector<640x128xf32>
    %mul3A_544 = vector.broadcast %broadcast_in_dim3A_542 : vector<640x1xf32> to vector<640x128xf32>
    %mul3A_545 = arith.mulf %mul3A_544, %slice3A_543 : vector<640x128xf32>
    %slice3A_546 = vector.extract_strided_slice %slice3A_539 {offsets = [0, 1], sizes = [640, 1], strides = [1, 1]} : vector<640x5xf32> to vector<640x1xf32>
    %squeeze3A_547 = vector.shape_cast %slice3A_546 : vector<640x1xf32> to vector<640xf32>
    %broadcast_in_dim3A_548 = vector.shape_cast %squeeze3A_547 : vector<640xf32> to vector<640x1xf32>
    %slice3A_549 = vector.extract_strided_slice %mul3A_87 {offsets = [0, 128], sizes = [640, 128], strides = [1, 1]} : vector<640x640xf32> to vector<640x128xf32>
    %mul3A_550 = vector.broadcast %broadcast_in_dim3A_548 : vector<640x1xf32> to vector<640x128xf32>
    %mul3A_551 = arith.mulf %mul3A_550, %slice3A_549 : vector<640x128xf32>
    %add3A_552 = arith.addf %mul3A_545, %mul3A_551 : vector<640x128xf32>
    %slice3A_553 = vector.extract_strided_slice %slice3A_539 {offsets = [0, 2], sizes = [640, 1], strides = [1, 1]} : vector<640x5xf32> to vector<640x1xf32>
    %squeeze3A_554 = vector.shape_cast %slice3A_553 : vector<640x1xf32> to vector<640xf32>
    %broadcast_in_dim3A_555 = vector.shape_cast %squeeze3A_554 : vector<640xf32> to vector<640x1xf32>
    %slice3A_556 = vector.extract_strided_slice %mul3A_87 {offsets = [0, 256], sizes = [640, 128], strides = [1, 1]} : vector<640x640xf32> to vector<640x128xf32>
    %mul3A_557 = vector.broadcast %broadcast_in_dim3A_555 : vector<640x1xf32> to vector<640x128xf32>
    %mul3A_558 = arith.mulf %mul3A_557, %slice3A_556 : vector<640x128xf32>
    %add3A_559 = arith.addf %add3A_552, %mul3A_558 : vector<640x128xf32>
    %slice3A_560 = vector.extract_strided_slice %slice3A_539 {offsets = [0, 3], sizes = [640, 1], strides = [1, 1]} : vector<640x5xf32> to vector<640x1xf32>
    %squeeze3A_561 = vector.shape_cast %slice3A_560 : vector<640x1xf32> to vector<640xf32>
    %broadcast_in_dim3A_562 = vector.shape_cast %squeeze3A_561 : vector<640xf32> to vector<640x1xf32>
    %slice3A_563 = vector.extract_strided_slice %mul3A_87 {offsets = [0, 384], sizes = [640, 128], strides = [1, 1]} : vector<640x640xf32> to vector<640x128xf32>
    %mul3A_564 = vector.broadcast %broadcast_in_dim3A_562 : vector<640x1xf32> to vector<640x128xf32>
    %mul3A_565 = arith.mulf %mul3A_564, %slice3A_563 : vector<640x128xf32>
    %add3A_566 = arith.addf %add3A_559, %mul3A_565 : vector<640x128xf32>
    %slice3A_567 = vector.extract_strided_slice %slice3A_539 {offsets = [0, 4], sizes = [640, 1], strides = [1, 1]} : vector<640x5xf32> to vector<640x1xf32>
    %squeeze3A_568 = vector.shape_cast %slice3A_567 : vector<640x1xf32> to vector<640xf32>
    %broadcast_in_dim3A_569 = vector.shape_cast %squeeze3A_568 : vector<640xf32> to vector<640x1xf32>
    %slice3A_570 = vector.extract_strided_slice %mul3A_87 {offsets = [0, 512], sizes = [640, 128], strides = [1, 1]} : vector<640x640xf32> to vector<640x128xf32>
    %mul3A_571 = vector.broadcast %broadcast_in_dim3A_569 : vector<640x1xf32> to vector<640x128xf32>
    %mul3A_572 = arith.mulf %mul3A_571, %slice3A_570 : vector<640x128xf32>
    %add3A_573 = arith.addf %add3A_566, %mul3A_572 : vector<640x128xf32>
    %swap3A_574 = arith.constant 0 : index
    %swap3A_575 = arith.constant 11 : index
    %swap3A_576 = arith.constant 0 : index
    %swap3A_577 = vector.load %arg11[%swap3A_574, %swap3A_575, %swap3A_576] : memref<640x24x128xf32, #tpu.memory_space<vmem>>, vector<640x1x128xf32>
    %swap3A_578 = vector.shape_cast %swap3A_577 : vector<640x1x128xf32> to vector<640x128xf32>
    %swap3A_579 = vector.shape_cast %add3A_573 : vector<640x128xf32> to vector<640x1x128xf32>
    tpu.vector_store %arg11[%swap3A_574, %swap3A_575, %swap3A_576], %swap3A_579 {strides = array<i32>} : memref<640x24x128xf32, #tpu.memory_space<vmem>>, vector<640x1x128xf32>,
    %slice3A_580 = vector.extract_strided_slice %get3A_90 {offsets = [0, 228], sizes = [640, 5], strides = [1, 1]} : vector<640x361xf32> to vector<640x5xf32>
    %slice3A_581 = vector.extract_strided_slice %slice3A_580 {offsets = [0, 0], sizes = [640, 1], strides = [1, 1]} : vector<640x5xf32> to vector<640x1xf32>
    %squeeze3A_582 = vector.shape_cast %slice3A_581 : vector<640x1xf32> to vector<640xf32>
    %broadcast_in_dim3A_583 = vector.shape_cast %squeeze3A_582 : vector<640xf32> to vector<640x1xf32>
    %slice3A_584 = vector.extract_strided_slice %mul3A_87 {offsets = [0, 0], sizes = [640, 128], strides = [1, 1]} : vector<640x640xf32> to vector<640x128xf32>
    %mul3A_585 = vector.broadcast %broadcast_in_dim3A_583 : vector<640x1xf32> to vector<640x128xf32>
    %mul3A_586 = arith.mulf %mul3A_585, %slice3A_584 : vector<640x128xf32>
    %slice3A_587 = vector.extract_strided_slice %slice3A_580 {offsets = [0, 1], sizes = [640, 1], strides = [1, 1]} : vector<640x5xf32> to vector<640x1xf32>
    %squeeze3A_588 = vector.shape_cast %slice3A_587 : vector<640x1xf32> to vector<640xf32>
    %broadcast_in_dim3A_589 = vector.shape_cast %squeeze3A_588 : vector<640xf32> to vector<640x1xf32>
    %slice3A_590 = vector.extract_strided_slice %mul3A_87 {offsets = [0, 128], sizes = [640, 128], strides = [1, 1]} : vector<640x640xf32> to vector<640x128xf32>
    %mul3A_591 = vector.broadcast %broadcast_in_dim3A_589 : vector<640x1xf32> to vector<640x128xf32>
    %mul3A_592 = arith.mulf %mul3A_591, %slice3A_590 : vector<640x128xf32>
    %add3A_593 = arith.addf %mul3A_586, %mul3A_592 : vector<640x128xf32>
    %slice3A_594 = vector.extract_strided_slice %slice3A_580 {offsets = [0, 2], sizes = [640, 1], strides = [1, 1]} : vector<640x5xf32> to vector<640x1xf32>
    %squeeze3A_595 = vector.shape_cast %slice3A_594 : vector<640x1xf32> to vector<640xf32>
    %broadcast_in_dim3A_596 = vector.shape_cast %squeeze3A_595 : vector<640xf32> to vector<640x1xf32>
    %slice3A_597 = vector.extract_strided_slice %mul3A_87 {offsets = [0, 256], sizes = [640, 128], strides = [1, 1]} : vector<640x640xf32> to vector<640x128xf32>
    %mul3A_598 = vector.broadcast %broadcast_in_dim3A_596 : vector<640x1xf32> to vector<640x128xf32>
    %mul3A_599 = arith.mulf %mul3A_598, %slice3A_597 : vector<640x128xf32>
    %add3A_600 = arith.addf %add3A_593, %mul3A_599 : vector<640x128xf32>
    %slice3A_601 = vector.extract_strided_slice %slice3A_580 {offsets = [0, 3], sizes = [640, 1], strides = [1, 1]} : vector<640x5xf32> to vector<640x1xf32>
    %squeeze3A_602 = vector.shape_cast %slice3A_601 : vector<640x1xf32> to vector<640xf32>
    %broadcast_in_dim3A_603 = vector.shape_cast %squeeze3A_602 : vector<640xf32> to vector<640x1xf32>
    %slice3A_604 = vector.extract_strided_slice %mul3A_87 {offsets = [0, 384], sizes = [640, 128], strides = [1, 1]} : vector<640x640xf32> to vector<640x128xf32>
    %mul3A_605 = vector.broadcast %broadcast_in_dim3A_603 : vector<640x1xf32> to vector<640x128xf32>
    %mul3A_606 = arith.mulf %mul3A_605, %slice3A_604 : vector<640x128xf32>
    %add3A_607 = arith.addf %add3A_600, %mul3A_606 : vector<640x128xf32>
    %slice3A_608 = vector.extract_strided_slice %slice3A_580 {offsets = [0, 4], sizes = [640, 1], strides = [1, 1]} : vector<640x5xf32> to vector<640x1xf32>
    %squeeze3A_609 = vector.shape_cast %slice3A_608 : vector<640x1xf32> to vector<640xf32>
    %broadcast_in_dim3A_610 = vector.shape_cast %squeeze3A_609 : vector<640xf32> to vector<640x1xf32>
    %slice3A_611 = vector.extract_strided_slice %mul3A_87 {offsets = [0, 512], sizes = [640, 128], strides = [1, 1]} : vector<640x640xf32> to vector<640x128xf32>
    %mul3A_612 = vector.broadcast %broadcast_in_dim3A_610 : vector<640x1xf32> to vector<640x128xf32>
    %mul3A_613 = arith.mulf %mul3A_612, %slice3A_611 : vector<640x128xf32>
    %add3A_614 = arith.addf %add3A_607, %mul3A_613 : vector<640x128xf32>
    %swap3A_615 = arith.constant 0 : index
    %swap3A_616 = arith.constant 12 : index
    %swap3A_617 = arith.constant 0 : index
    %swap3A_618 = vector.load %arg11[%swap3A_615, %swap3A_616, %swap3A_617] : memref<640x24x128xf32, #tpu.memory_space<vmem>>, vector<640x1x128xf32>
    %swap3A_619 = vector.shape_cast %swap3A_618 : vector<640x1x128xf32> to vector<640x128xf32>
    %swap3A_620 = vector.shape_cast %add3A_614 : vector<640x128xf32> to vector<640x1x128xf32>
    tpu.vector_store %arg11[%swap3A_615, %swap3A_616, %swap3A_617], %swap3A_620 {strides = array<i32>} : memref<640x24x128xf32, #tpu.memory_space<vmem>>, vector<640x1x128xf32>,
    %slice3A_621 = vector.extract_strided_slice %get3A_90 {offsets = [0, 247], sizes = [640, 5], strides = [1, 1]} : vector<640x361xf32> to vector<640x5xf32>
    %slice3A_622 = vector.extract_strided_slice %slice3A_621 {offsets = [0, 0], sizes = [640, 1], strides = [1, 1]} : vector<640x5xf32> to vector<640x1xf32>
    %squeeze3A_623 = vector.shape_cast %slice3A_622 : vector<640x1xf32> to vector<640xf32>
    %broadcast_in_dim3A_624 = vector.shape_cast %squeeze3A_623 : vector<640xf32> to vector<640x1xf32>
    %slice3A_625 = vector.extract_strided_slice %mul3A_87 {offsets = [0, 0], sizes = [640, 128], strides = [1, 1]} : vector<640x640xf32> to vector<640x128xf32>
    %mul3A_626 = vector.broadcast %broadcast_in_dim3A_624 : vector<640x1xf32> to vector<640x128xf32>
    %mul3A_627 = arith.mulf %mul3A_626, %slice3A_625 : vector<640x128xf32>
    %slice3A_628 = vector.extract_strided_slice %slice3A_621 {offsets = [0, 1], sizes = [640, 1], strides = [1, 1]} : vector<640x5xf32> to vector<640x1xf32>
    %squeeze3A_629 = vector.shape_cast %slice3A_628 : vector<640x1xf32> to vector<640xf32>
    %broadcast_in_dim3A_630 = vector.shape_cast %squeeze3A_629 : vector<640xf32> to vector<640x1xf32>
    %slice3A_631 = vector.extract_strided_slice %mul3A_87 {offsets = [0, 128], sizes = [640, 128], strides = [1, 1]} : vector<640x640xf32> to vector<640x128xf32>
    %mul3A_632 = vector.broadcast %broadcast_in_dim3A_630 : vector<640x1xf32> to vector<640x128xf32>
    %mul3A_633 = arith.mulf %mul3A_632, %slice3A_631 : vector<640x128xf32>
    %add3A_634 = arith.addf %mul3A_627, %mul3A_633 : vector<640x128xf32>
    %slice3A_635 = vector.extract_strided_slice %slice3A_621 {offsets = [0, 2], sizes = [640, 1], strides = [1, 1]} : vector<640x5xf32> to vector<640x1xf32>
    %squeeze3A_636 = vector.shape_cast %slice3A_635 : vector<640x1xf32> to vector<640xf32>
    %broadcast_in_dim3A_637 = vector.shape_cast %squeeze3A_636 : vector<640xf32> to vector<640x1xf32>
    %slice3A_638 = vector.extract_strided_slice %mul3A_87 {offsets = [0, 256], sizes = [640, 128], strides = [1, 1]} : vector<640x640xf32> to vector<640x128xf32>
    %mul3A_639 = vector.broadcast %broadcast_in_dim3A_637 : vector<640x1xf32> to vector<640x128xf32>
    %mul3A_640 = arith.mulf %mul3A_639, %slice3A_638 : vector<640x128xf32>
    %add3A_641 = arith.addf %add3A_634, %mul3A_640 : vector<640x128xf32>
    %slice3A_642 = vector.extract_strided_slice %slice3A_621 {offsets = [0, 3], sizes = [640, 1], strides = [1, 1]} : vector<640x5xf32> to vector<640x1xf32>
    %squeeze3A_643 = vector.shape_cast %slice3A_642 : vector<640x1xf32> to vector<640xf32>
    %broadcast_in_dim3A_644 = vector.shape_cast %squeeze3A_643 : vector<640xf32> to vector<640x1xf32>
    %slice3A_645 = vector.extract_strided_slice %mul3A_87 {offsets = [0, 384], sizes = [640, 128], strides = [1, 1]} : vector<640x640xf32> to vector<640x128xf32>
    %mul3A_646 = vector.broadcast %broadcast_in_dim3A_644 : vector<640x1xf32> to vector<640x128xf32>
    %mul3A_647 = arith.mulf %mul3A_646, %slice3A_645 : vector<640x128xf32>
    %add3A_648 = arith.addf %add3A_641, %mul3A_647 : vector<640x128xf32>
    %slice3A_649 = vector.extract_strided_slice %slice3A_621 {offsets = [0, 4], sizes = [640, 1], strides = [1, 1]} : vector<640x5xf32> to vector<640x1xf32>
    %squeeze3A_650 = vector.shape_cast %slice3A_649 : vector<640x1xf32> to vector<640xf32>
    %broadcast_in_dim3A_651 = vector.shape_cast %squeeze3A_650 : vector<640xf32> to vector<640x1xf32>
    %slice3A_652 = vector.extract_strided_slice %mul3A_87 {offsets = [0, 512], sizes = [640, 128], strides = [1, 1]} : vector<640x640xf32> to vector<640x128xf32>
    %mul3A_653 = vector.broadcast %broadcast_in_dim3A_651 : vector<640x1xf32> to vector<640x128xf32>
    %mul3A_654 = arith.mulf %mul3A_653, %slice3A_652 : vector<640x128xf32>
    %add3A_655 = arith.addf %add3A_648, %mul3A_654 : vector<640x128xf32>
    %swap3A_656 = arith.constant 0 : index
    %swap3A_657 = arith.constant 13 : index
    %swap3A_658 = arith.constant 0 : index
    %swap3A_659 = vector.load %arg11[%swap3A_656, %swap3A_657, %swap3A_658] : memref<640x24x128xf32, #tpu.memory_space<vmem>>, vector<640x1x128xf32>
    %swap3A_660 = vector.shape_cast %swap3A_659 : vector<640x1x128xf32> to vector<640x128xf32>
    %swap3A_661 = vector.shape_cast %add3A_655 : vector<640x128xf32> to vector<640x1x128xf32>
    tpu.vector_store %arg11[%swap3A_656, %swap3A_657, %swap3A_658], %swap3A_661 {strides = array<i32>} : memref<640x24x128xf32, #tpu.memory_space<vmem>>, vector<640x1x128xf32>,
    %slice3A_662 = vector.extract_strided_slice %get3A_90 {offsets = [0, 266], sizes = [640, 5], strides = [1, 1]} : vector<640x361xf32> to vector<640x5xf32>
    %slice3A_663 = vector.extract_strided_slice %slice3A_662 {offsets = [0, 0], sizes = [640, 1], strides = [1, 1]} : vector<640x5xf32> to vector<640x1xf32>
    %squeeze3A_664 = vector.shape_cast %slice3A_663 : vector<640x1xf32> to vector<640xf32>
    %broadcast_in_dim3A_665 = vector.shape_cast %squeeze3A_664 : vector<640xf32> to vector<640x1xf32>
    %slice3A_666 = vector.extract_strided_slice %mul3A_87 {offsets = [0, 0], sizes = [640, 128], strides = [1, 1]} : vector<640x640xf32> to vector<640x128xf32>
    %mul3A_667 = vector.broadcast %broadcast_in_dim3A_665 : vector<640x1xf32> to vector<640x128xf32>
    %mul3A_668 = arith.mulf %mul3A_667, %slice3A_666 : vector<640x128xf32>
    %slice3A_669 = vector.extract_strided_slice %slice3A_662 {offsets = [0, 1], sizes = [640, 1], strides = [1, 1]} : vector<640x5xf32> to vector<640x1xf32>
    %squeeze3A_670 = vector.shape_cast %slice3A_669 : vector<640x1xf32> to vector<640xf32>
    %broadcast_in_dim3A_671 = vector.shape_cast %squeeze3A_670 : vector<640xf32> to vector<640x1xf32>
    %slice3A_672 = vector.extract_strided_slice %mul3A_87 {offsets = [0, 128], sizes = [640, 128], strides = [1, 1]} : vector<640x640xf32> to vector<640x128xf32>
    %mul3A_673 = vector.broadcast %broadcast_in_dim3A_671 : vector<640x1xf32> to vector<640x128xf32>
    %mul3A_674 = arith.mulf %mul3A_673, %slice3A_672 : vector<640x128xf32>
    %add3A_675 = arith.addf %mul3A_668, %mul3A_674 : vector<640x128xf32>
    %slice3A_676 = vector.extract_strided_slice %slice3A_662 {offsets = [0, 2], sizes = [640, 1], strides = [1, 1]} : vector<640x5xf32> to vector<640x1xf32>
    %squeeze3A_677 = vector.shape_cast %slice3A_676 : vector<640x1xf32> to vector<640xf32>
    %broadcast_in_dim3A_678 = vector.shape_cast %squeeze3A_677 : vector<640xf32> to vector<640x1xf32>
    %slice3A_679 = vector.extract_strided_slice %mul3A_87 {offsets = [0, 256], sizes = [640, 128], strides = [1, 1]} : vector<640x640xf32> to vector<640x128xf32>
    %mul3A_680 = vector.broadcast %broadcast_in_dim3A_678 : vector<640x1xf32> to vector<640x128xf32>
    %mul3A_681 = arith.mulf %mul3A_680, %slice3A_679 : vector<640x128xf32>
    %add3A_682 = arith.addf %add3A_675, %mul3A_681 : vector<640x128xf32>
    %slice3A_683 = vector.extract_strided_slice %slice3A_662 {offsets = [0, 3], sizes = [640, 1], strides = [1, 1]} : vector<640x5xf32> to vector<640x1xf32>
    %squeeze3A_684 = vector.shape_cast %slice3A_683 : vector<640x1xf32> to vector<640xf32>
    %broadcast_in_dim3A_685 = vector.shape_cast %squeeze3A_684 : vector<640xf32> to vector<640x1xf32>
    %slice3A_686 = vector.extract_strided_slice %mul3A_87 {offsets = [0, 384], sizes = [640, 128], strides = [1, 1]} : vector<640x640xf32> to vector<640x128xf32>
    %mul3A_687 = vector.broadcast %broadcast_in_dim3A_685 : vector<640x1xf32> to vector<640x128xf32>
    %mul3A_688 = arith.mulf %mul3A_687, %slice3A_686 : vector<640x128xf32>
    %add3A_689 = arith.addf %add3A_682, %mul3A_688 : vector<640x128xf32>
    %slice3A_690 = vector.extract_strided_slice %slice3A_662 {offsets = [0, 4], sizes = [640, 1], strides = [1, 1]} : vector<640x5xf32> to vector<640x1xf32>
    %squeeze3A_691 = vector.shape_cast %slice3A_690 : vector<640x1xf32> to vector<640xf32>
    %broadcast_in_dim3A_692 = vector.shape_cast %squeeze3A_691 : vector<640xf32> to vector<640x1xf32>
    %slice3A_693 = vector.extract_strided_slice %mul3A_87 {offsets = [0, 512], sizes = [640, 128], strides = [1, 1]} : vector<640x640xf32> to vector<640x128xf32>
    %mul3A_694 = vector.broadcast %broadcast_in_dim3A_692 : vector<640x1xf32> to vector<640x128xf32>
    %mul3A_695 = arith.mulf %mul3A_694, %slice3A_693 : vector<640x128xf32>
    %add3A_696 = arith.addf %add3A_689, %mul3A_695 : vector<640x128xf32>
    %swap3A_697 = arith.constant 0 : index
    %swap3A_698 = arith.constant 14 : index
    %swap3A_699 = arith.constant 0 : index
    %swap3A_700 = vector.load %arg11[%swap3A_697, %swap3A_698, %swap3A_699] : memref<640x24x128xf32, #tpu.memory_space<vmem>>, vector<640x1x128xf32>
    %swap3A_701 = vector.shape_cast %swap3A_700 : vector<640x1x128xf32> to vector<640x128xf32>
    %swap3A_702 = vector.shape_cast %add3A_696 : vector<640x128xf32> to vector<640x1x128xf32>
    tpu.vector_store %arg11[%swap3A_697, %swap3A_698, %swap3A_699], %swap3A_702 {strides = array<i32>} : memref<640x24x128xf32, #tpu.memory_space<vmem>>, vector<640x1x128xf32>,
    %slice3A_703 = vector.extract_strided_slice %get3A_90 {offsets = [0, 285], sizes = [640, 5], strides = [1, 1]} : vector<640x361xf32> to vector<640x5xf32>
    %slice3A_704 = vector.extract_strided_slice %slice3A_703 {offsets = [0, 0], sizes = [640, 1], strides = [1, 1]} : vector<640x5xf32> to vector<640x1xf32>
    %squeeze3A_705 = vector.shape_cast %slice3A_704 : vector<640x1xf32> to vector<640xf32>
    %broadcast_in_dim3A_706 = vector.shape_cast %squeeze3A_705 : vector<640xf32> to vector<640x1xf32>
    %slice3A_707 = vector.extract_strided_slice %mul3A_87 {offsets = [0, 0], sizes = [640, 128], strides = [1, 1]} : vector<640x640xf32> to vector<640x128xf32>
    %mul3A_708 = vector.broadcast %broadcast_in_dim3A_706 : vector<640x1xf32> to vector<640x128xf32>
    %mul3A_709 = arith.mulf %mul3A_708, %slice3A_707 : vector<640x128xf32>
    %slice3A_710 = vector.extract_strided_slice %slice3A_703 {offsets = [0, 1], sizes = [640, 1], strides = [1, 1]} : vector<640x5xf32> to vector<640x1xf32>
    %squeeze3A_711 = vector.shape_cast %slice3A_710 : vector<640x1xf32> to vector<640xf32>
    %broadcast_in_dim3A_712 = vector.shape_cast %squeeze3A_711 : vector<640xf32> to vector<640x1xf32>
    %slice3A_713 = vector.extract_strided_slice %mul3A_87 {offsets = [0, 128], sizes = [640, 128], strides = [1, 1]} : vector<640x640xf32> to vector<640x128xf32>
    %mul3A_714 = vector.broadcast %broadcast_in_dim3A_712 : vector<640x1xf32> to vector<640x128xf32>
    %mul3A_715 = arith.mulf %mul3A_714, %slice3A_713 : vector<640x128xf32>
    %add3A_716 = arith.addf %mul3A_709, %mul3A_715 : vector<640x128xf32>
    %slice3A_717 = vector.extract_strided_slice %slice3A_703 {offsets = [0, 2], sizes = [640, 1], strides = [1, 1]} : vector<640x5xf32> to vector<640x1xf32>
    %squeeze3A_718 = vector.shape_cast %slice3A_717 : vector<640x1xf32> to vector<640xf32>
    %broadcast_in_dim3A_719 = vector.shape_cast %squeeze3A_718 : vector<640xf32> to vector<640x1xf32>
    %slice3A_720 = vector.extract_strided_slice %mul3A_87 {offsets = [0, 256], sizes = [640, 128], strides = [1, 1]} : vector<640x640xf32> to vector<640x128xf32>
    %mul3A_721 = vector.broadcast %broadcast_in_dim3A_719 : vector<640x1xf32> to vector<640x128xf32>
    %mul3A_722 = arith.mulf %mul3A_721, %slice3A_720 : vector<640x128xf32>
    %add3A_723 = arith.addf %add3A_716, %mul3A_722 : vector<640x128xf32>
    %slice3A_724 = vector.extract_strided_slice %slice3A_703 {offsets = [0, 3], sizes = [640, 1], strides = [1, 1]} : vector<640x5xf32> to vector<640x1xf32>
    %squeeze3A_725 = vector.shape_cast %slice3A_724 : vector<640x1xf32> to vector<640xf32>
    %broadcast_in_dim3A_726 = vector.shape_cast %squeeze3A_725 : vector<640xf32> to vector<640x1xf32>
    %slice3A_727 = vector.extract_strided_slice %mul3A_87 {offsets = [0, 384], sizes = [640, 128], strides = [1, 1]} : vector<640x640xf32> to vector<640x128xf32>
    %mul3A_728 = vector.broadcast %broadcast_in_dim3A_726 : vector<640x1xf32> to vector<640x128xf32>
    %mul3A_729 = arith.mulf %mul3A_728, %slice3A_727 : vector<640x128xf32>
    %add3A_730 = arith.addf %add3A_723, %mul3A_729 : vector<640x128xf32>
    %slice3A_731 = vector.extract_strided_slice %slice3A_703 {offsets = [0, 4], sizes = [640, 1], strides = [1, 1]} : vector<640x5xf32> to vector<640x1xf32>
    %squeeze3A_732 = vector.shape_cast %slice3A_731 : vector<640x1xf32> to vector<640xf32>
    %broadcast_in_dim3A_733 = vector.shape_cast %squeeze3A_732 : vector<640xf32> to vector<640x1xf32>
    %slice3A_734 = vector.extract_strided_slice %mul3A_87 {offsets = [0, 512], sizes = [640, 128], strides = [1, 1]} : vector<640x640xf32> to vector<640x128xf32>
    %mul3A_735 = vector.broadcast %broadcast_in_dim3A_733 : vector<640x1xf32> to vector<640x128xf32>
    %mul3A_736 = arith.mulf %mul3A_735, %slice3A_734 : vector<640x128xf32>
    %add3A_737 = arith.addf %add3A_730, %mul3A_736 : vector<640x128xf32>
    %swap3A_738 = arith.constant 0 : index
    %swap3A_739 = arith.constant 15 : index
    %swap3A_740 = arith.constant 0 : index
    %swap3A_741 = vector.load %arg11[%swap3A_738, %swap3A_739, %swap3A_740] : memref<640x24x128xf32, #tpu.memory_space<vmem>>, vector<640x1x128xf32>
    %swap3A_742 = vector.shape_cast %swap3A_741 : vector<640x1x128xf32> to vector<640x128xf32>
    %swap3A_743 = vector.shape_cast %add3A_737 : vector<640x128xf32> to vector<640x1x128xf32>
    tpu.vector_store %arg11[%swap3A_738, %swap3A_739, %swap3A_740], %swap3A_743 {strides = array<i32>} : memref<640x24x128xf32, #tpu.memory_space<vmem>>, vector<640x1x128xf32>,
    %slice3A_744 = vector.extract_strided_slice %get3A_90 {offsets = [0, 304], sizes = [640, 5], strides = [1, 1]} : vector<640x361xf32> to vector<640x5xf32>
    %slice3A_745 = vector.extract_strided_slice %slice3A_744 {offsets = [0, 0], sizes = [640, 1], strides = [1, 1]} : vector<640x5xf32> to vector<640x1xf32>
    %squeeze3A_746 = vector.shape_cast %slice3A_745 : vector<640x1xf32> to vector<640xf32>
    %broadcast_in_dim3A_747 = vector.shape_cast %squeeze3A_746 : vector<640xf32> to vector<640x1xf32>
    %slice3A_748 = vector.extract_strided_slice %mul3A_87 {offsets = [0, 0], sizes = [640, 128], strides = [1, 1]} : vector<640x640xf32> to vector<640x128xf32>
    %mul3A_749 = vector.broadcast %broadcast_in_dim3A_747 : vector<640x1xf32> to vector<640x128xf32>
    %mul3A_750 = arith.mulf %mul3A_749, %slice3A_748 : vector<640x128xf32>
    %slice3A_751 = vector.extract_strided_slice %slice3A_744 {offsets = [0, 1], sizes = [640, 1], strides = [1, 1]} : vector<640x5xf32> to vector<640x1xf32>
    %squeeze3A_752 = vector.shape_cast %slice3A_751 : vector<640x1xf32> to vector<640xf32>
    %broadcast_in_dim3A_753 = vector.shape_cast %squeeze3A_752 : vector<640xf32> to vector<640x1xf32>
    %slice3A_754 = vector.extract_strided_slice %mul3A_87 {offsets = [0, 128], sizes = [640, 128], strides = [1, 1]} : vector<640x640xf32> to vector<640x128xf32>
    %mul3A_755 = vector.broadcast %broadcast_in_dim3A_753 : vector<640x1xf32> to vector<640x128xf32>
    %mul3A_756 = arith.mulf %mul3A_755, %slice3A_754 : vector<640x128xf32>
    %add3A_757 = arith.addf %mul3A_750, %mul3A_756 : vector<640x128xf32>
    %slice3A_758 = vector.extract_strided_slice %slice3A_744 {offsets = [0, 2], sizes = [640, 1], strides = [1, 1]} : vector<640x5xf32> to vector<640x1xf32>
    %squeeze3A_759 = vector.shape_cast %slice3A_758 : vector<640x1xf32> to vector<640xf32>
    %broadcast_in_dim3A_760 = vector.shape_cast %squeeze3A_759 : vector<640xf32> to vector<640x1xf32>
    %slice3A_761 = vector.extract_strided_slice %mul3A_87 {offsets = [0, 256], sizes = [640, 128], strides = [1, 1]} : vector<640x640xf32> to vector<640x128xf32>
    %mul3A_762 = vector.broadcast %broadcast_in_dim3A_760 : vector<640x1xf32> to vector<640x128xf32>
    %mul3A_763 = arith.mulf %mul3A_762, %slice3A_761 : vector<640x128xf32>
    %add3A_764 = arith.addf %add3A_757, %mul3A_763 : vector<640x128xf32>
    %slice3A_765 = vector.extract_strided_slice %slice3A_744 {offsets = [0, 3], sizes = [640, 1], strides = [1, 1]} : vector<640x5xf32> to vector<640x1xf32>
    %squeeze3A_766 = vector.shape_cast %slice3A_765 : vector<640x1xf32> to vector<640xf32>
    %broadcast_in_dim3A_767 = vector.shape_cast %squeeze3A_766 : vector<640xf32> to vector<640x1xf32>
    %slice3A_768 = vector.extract_strided_slice %mul3A_87 {offsets = [0, 384], sizes = [640, 128], strides = [1, 1]} : vector<640x640xf32> to vector<640x128xf32>
    %mul3A_769 = vector.broadcast %broadcast_in_dim3A_767 : vector<640x1xf32> to vector<640x128xf32>
    %mul3A_770 = arith.mulf %mul3A_769, %slice3A_768 : vector<640x128xf32>
    %add3A_771 = arith.addf %add3A_764, %mul3A_770 : vector<640x128xf32>
    %slice3A_772 = vector.extract_strided_slice %slice3A_744 {offsets = [0, 4], sizes = [640, 1], strides = [1, 1]} : vector<640x5xf32> to vector<640x1xf32>
    %squeeze3A_773 = vector.shape_cast %slice3A_772 : vector<640x1xf32> to vector<640xf32>
    %broadcast_in_dim3A_774 = vector.shape_cast %squeeze3A_773 : vector<640xf32> to vector<640x1xf32>
    %slice3A_775 = vector.extract_strided_slice %mul3A_87 {offsets = [0, 512], sizes = [640, 128], strides = [1, 1]} : vector<640x640xf32> to vector<640x128xf32>
    %mul3A_776 = vector.broadcast %broadcast_in_dim3A_774 : vector<640x1xf32> to vector<640x128xf32>
    %mul3A_777 = arith.mulf %mul3A_776, %slice3A_775 : vector<640x128xf32>
    %add3A_778 = arith.addf %add3A_771, %mul3A_777 : vector<640x128xf32>
    %swap3A_779 = arith.constant 0 : index
    %swap3A_780 = arith.constant 16 : index
    %swap3A_781 = arith.constant 0 : index
    %swap3A_782 = vector.load %arg11[%swap3A_779, %swap3A_780, %swap3A_781] : memref<640x24x128xf32, #tpu.memory_space<vmem>>, vector<640x1x128xf32>
    %swap3A_783 = vector.shape_cast %swap3A_782 : vector<640x1x128xf32> to vector<640x128xf32>
    %swap3A_784 = vector.shape_cast %add3A_778 : vector<640x128xf32> to vector<640x1x128xf32>
    tpu.vector_store %arg11[%swap3A_779, %swap3A_780, %swap3A_781], %swap3A_784 {strides = array<i32>} : memref<640x24x128xf32, #tpu.memory_space<vmem>>, vector<640x1x128xf32>,
    %slice3A_785 = vector.extract_strided_slice %get3A_90 {offsets = [0, 323], sizes = [640, 5], strides = [1, 1]} : vector<640x361xf32> to vector<640x5xf32>
    %slice3A_786 = vector.extract_strided_slice %slice3A_785 {offsets = [0, 0], sizes = [640, 1], strides = [1, 1]} : vector<640x5xf32> to vector<640x1xf32>
    %squeeze3A_787 = vector.shape_cast %slice3A_786 : vector<640x1xf32> to vector<640xf32>
    %broadcast_in_dim3A_788 = vector.shape_cast %squeeze3A_787 : vector<640xf32> to vector<640x1xf32>
    %slice3A_789 = vector.extract_strided_slice %mul3A_87 {offsets = [0, 0], sizes = [640, 128], strides = [1, 1]} : vector<640x640xf32> to vector<640x128xf32>
    %mul3A_790 = vector.broadcast %broadcast_in_dim3A_788 : vector<640x1xf32> to vector<640x128xf32>
    %mul3A_791 = arith.mulf %mul3A_790, %slice3A_789 : vector<640x128xf32>
    %slice3A_792 = vector.extract_strided_slice %slice3A_785 {offsets = [0, 1], sizes = [640, 1], strides = [1, 1]} : vector<640x5xf32> to vector<640x1xf32>
    %squeeze3A_793 = vector.shape_cast %slice3A_792 : vector<640x1xf32> to vector<640xf32>
    %broadcast_in_dim3A_794 = vector.shape_cast %squeeze3A_793 : vector<640xf32> to vector<640x1xf32>
    %slice3A_795 = vector.extract_strided_slice %mul3A_87 {offsets = [0, 128], sizes = [640, 128], strides = [1, 1]} : vector<640x640xf32> to vector<640x128xf32>
    %mul3A_796 = vector.broadcast %broadcast_in_dim3A_794 : vector<640x1xf32> to vector<640x128xf32>
    %mul3A_797 = arith.mulf %mul3A_796, %slice3A_795 : vector<640x128xf32>
    %add3A_798 = arith.addf %mul3A_791, %mul3A_797 : vector<640x128xf32>
    %slice3A_799 = vector.extract_strided_slice %slice3A_785 {offsets = [0, 2], sizes = [640, 1], strides = [1, 1]} : vector<640x5xf32> to vector<640x1xf32>
    %squeeze3A_800 = vector.shape_cast %slice3A_799 : vector<640x1xf32> to vector<640xf32>
    %broadcast_in_dim3A_801 = vector.shape_cast %squeeze3A_800 : vector<640xf32> to vector<640x1xf32>
    %slice3A_802 = vector.extract_strided_slice %mul3A_87 {offsets = [0, 256], sizes = [640, 128], strides = [1, 1]} : vector<640x640xf32> to vector<640x128xf32>
    %mul3A_803 = vector.broadcast %broadcast_in_dim3A_801 : vector<640x1xf32> to vector<640x128xf32>
    %mul3A_804 = arith.mulf %mul3A_803, %slice3A_802 : vector<640x128xf32>
    %add3A_805 = arith.addf %add3A_798, %mul3A_804 : vector<640x128xf32>
    %slice3A_806 = vector.extract_strided_slice %slice3A_785 {offsets = [0, 3], sizes = [640, 1], strides = [1, 1]} : vector<640x5xf32> to vector<640x1xf32>
    %squeeze3A_807 = vector.shape_cast %slice3A_806 : vector<640x1xf32> to vector<640xf32>
    %broadcast_in_dim3A_808 = vector.shape_cast %squeeze3A_807 : vector<640xf32> to vector<640x1xf32>
    %slice3A_809 = vector.extract_strided_slice %mul3A_87 {offsets = [0, 384], sizes = [640, 128], strides = [1, 1]} : vector<640x640xf32> to vector<640x128xf32>
    %mul3A_810 = vector.broadcast %broadcast_in_dim3A_808 : vector<640x1xf32> to vector<640x128xf32>
    %mul3A_811 = arith.mulf %mul3A_810, %slice3A_809 : vector<640x128xf32>
    %add3A_812 = arith.addf %add3A_805, %mul3A_811 : vector<640x128xf32>
    %slice3A_813 = vector.extract_strided_slice %slice3A_785 {offsets = [0, 4], sizes = [640, 1], strides = [1, 1]} : vector<640x5xf32> to vector<640x1xf32>
    %squeeze3A_814 = vector.shape_cast %slice3A_813 : vector<640x1xf32> to vector<640xf32>
    %broadcast_in_dim3A_815 = vector.shape_cast %squeeze3A_814 : vector<640xf32> to vector<640x1xf32>
    %slice3A_816 = vector.extract_strided_slice %mul3A_87 {offsets = [0, 512], sizes = [640, 128], strides = [1, 1]} : vector<640x640xf32> to vector<640x128xf32>
    %mul3A_817 = vector.broadcast %broadcast_in_dim3A_815 : vector<640x1xf32> to vector<640x128xf32>
    %mul3A_818 = arith.mulf %mul3A_817, %slice3A_816 : vector<640x128xf32>
    %add3A_819 = arith.addf %add3A_812, %mul3A_818 : vector<640x128xf32>
    %swap3A_820 = arith.constant 0 : index
    %swap3A_821 = arith.constant 17 : index
    %swap3A_822 = arith.constant 0 : index
    %swap3A_823 = vector.load %arg11[%swap3A_820, %swap3A_821, %swap3A_822] : memref<640x24x128xf32, #tpu.memory_space<vmem>>, vector<640x1x128xf32>
    %swap3A_824 = vector.shape_cast %swap3A_823 : vector<640x1x128xf32> to vector<640x128xf32>
    %swap3A_825 = vector.shape_cast %add3A_819 : vector<640x128xf32> to vector<640x1x128xf32>
    tpu.vector_store %arg11[%swap3A_820, %swap3A_821, %swap3A_822], %swap3A_825 {strides = array<i32>} : memref<640x24x128xf32, #tpu.memory_space<vmem>>, vector<640x1x128xf32>,
    %slice3A_826 = vector.extract_strided_slice %get3A_90 {offsets = [0, 342], sizes = [640, 5], strides = [1, 1]} : vector<640x361xf32> to vector<640x5xf32>
    %slice3A_827 = vector.extract_strided_slice %slice3A_826 {offsets = [0, 0], sizes = [640, 1], strides = [1, 1]} : vector<640x5xf32> to vector<640x1xf32>
    %squeeze3A_828 = vector.shape_cast %slice3A_827 : vector<640x1xf32> to vector<640xf32>
    %broadcast_in_dim3A_829 = vector.shape_cast %squeeze3A_828 : vector<640xf32> to vector<640x1xf32>
    %slice3A_830 = vector.extract_strided_slice %mul3A_87 {offsets = [0, 0], sizes = [640, 128], strides = [1, 1]} : vector<640x640xf32> to vector<640x128xf32>
    %mul3A_831 = vector.broadcast %broadcast_in_dim3A_829 : vector<640x1xf32> to vector<640x128xf32>
    %mul3A_832 = arith.mulf %mul3A_831, %slice3A_830 : vector<640x128xf32>
    %slice3A_833 = vector.extract_strided_slice %slice3A_826 {offsets = [0, 1], sizes = [640, 1], strides = [1, 1]} : vector<640x5xf32> to vector<640x1xf32>
    %squeeze3A_834 = vector.shape_cast %slice3A_833 : vector<640x1xf32> to vector<640xf32>
    %broadcast_in_dim3A_835 = vector.shape_cast %squeeze3A_834 : vector<640xf32> to vector<640x1xf32>
    %slice3A_836 = vector.extract_strided_slice %mul3A_87 {offsets = [0, 128], sizes = [640, 128], strides = [1, 1]} : vector<640x640xf32> to vector<640x128xf32>
    %mul3A_837 = vector.broadcast %broadcast_in_dim3A_835 : vector<640x1xf32> to vector<640x128xf32>
    %mul3A_838 = arith.mulf %mul3A_837, %slice3A_836 : vector<640x128xf32>
    %add3A_839 = arith.addf %mul3A_832, %mul3A_838 : vector<640x128xf32>
    %slice3A_840 = vector.extract_strided_slice %slice3A_826 {offsets = [0, 2], sizes = [640, 1], strides = [1, 1]} : vector<640x5xf32> to vector<640x1xf32>
    %squeeze3A_841 = vector.shape_cast %slice3A_840 : vector<640x1xf32> to vector<640xf32>
    %broadcast_in_dim3A_842 = vector.shape_cast %squeeze3A_841 : vector<640xf32> to vector<640x1xf32>
    %slice3A_843 = vector.extract_strided_slice %mul3A_87 {offsets = [0, 256], sizes = [640, 128], strides = [1, 1]} : vector<640x640xf32> to vector<640x128xf32>
    %mul3A_844 = vector.broadcast %broadcast_in_dim3A_842 : vector<640x1xf32> to vector<640x128xf32>
    %mul3A_845 = arith.mulf %mul3A_844, %slice3A_843 : vector<640x128xf32>
    %add3A_846 = arith.addf %add3A_839, %mul3A_845 : vector<640x128xf32>
    %slice3A_847 = vector.extract_strided_slice %slice3A_826 {offsets = [0, 3], sizes = [640, 1], strides = [1, 1]} : vector<640x5xf32> to vector<640x1xf32>
    %squeeze3A_848 = vector.shape_cast %slice3A_847 : vector<640x1xf32> to vector<640xf32>
    %broadcast_in_dim3A_849 = vector.shape_cast %squeeze3A_848 : vector<640xf32> to vector<640x1xf32>
    %slice3A_850 = vector.extract_strided_slice %mul3A_87 {offsets = [0, 384], sizes = [640, 128], strides = [1, 1]} : vector<640x640xf32> to vector<640x128xf32>
    %mul3A_851 = vector.broadcast %broadcast_in_dim3A_849 : vector<640x1xf32> to vector<640x128xf32>
    %mul3A_852 = arith.mulf %mul3A_851, %slice3A_850 : vector<640x128xf32>
    %add3A_853 = arith.addf %add3A_846, %mul3A_852 : vector<640x128xf32>
    %slice3A_854 = vector.extract_strided_slice %slice3A_826 {offsets = [0, 4], sizes = [640, 1], strides = [1, 1]} : vector<640x5xf32> to vector<640x1xf32>
    %squeeze3A_855 = vector.shape_cast %slice3A_854 : vector<640x1xf32> to vector<640xf32>
    %broadcast_in_dim3A_856 = vector.shape_cast %squeeze3A_855 : vector<640xf32> to vector<640x1xf32>
    %slice3A_857 = vector.extract_strided_slice %mul3A_87 {offsets = [0, 512], sizes = [640, 128], strides = [1, 1]} : vector<640x640xf32> to vector<640x128xf32>
    %mul3A_858 = vector.broadcast %broadcast_in_dim3A_856 : vector<640x1xf32> to vector<640x128xf32>
    %mul3A_859 = arith.mulf %mul3A_858, %slice3A_857 : vector<640x128xf32>
    %add3A_860 = arith.addf %add3A_853, %mul3A_859 : vector<640x128xf32>
    %swap3A_861 = arith.constant 0 : index
    %swap3A_862 = arith.constant 18 : index
    %swap3A_863 = arith.constant 0 : index
    %swap3A_864 = vector.load %arg11[%swap3A_861, %swap3A_862, %swap3A_863] : memref<640x24x128xf32, #tpu.memory_space<vmem>>, vector<640x1x128xf32>
    %swap3A_865 = vector.shape_cast %swap3A_864 : vector<640x1x128xf32> to vector<640x128xf32>
    %swap3A_866 = vector.shape_cast %add3A_860 : vector<640x128xf32> to vector<640x1x128xf32>
    tpu.vector_store %arg11[%swap3A_861, %swap3A_862, %swap3A_863], %swap3A_866 {strides = array<i32>} : memref<640x24x128xf32, #tpu.memory_space<vmem>>, vector<640x1x128xf32>,
    return
  }
  func.func @transform_0(%arg0: i32) -> (i32, i32) {
    %c0_i32 = arith.constant 0 : i32
    %c0_i32_0 = arith.constant 0 : i32
    return %arg0, %c0_i32 : i32, i32
  }
  func.func @transform_1(%arg0: i32) -> (i32, i32) {
    %c0_i32 = arith.constant 0 : i32
    %c0_i32_0 = arith.constant 0 : i32
    return %arg0, %c0_i32 : i32, i32
  }
  func.func @transform_2(%arg0: i32) -> (i32, i32) {
    %c0_i32 = arith.constant 0 : i32
    %c0_i32_0 = arith.constant 0 : i32
    return %arg0, %c0_i32 : i32, i32
  }
  func.func @transform_3(%arg0: i32) -> (i32, i32) {
    %c0_i32 = arith.constant 0 : i32
    %c0_i32_0 = arith.constant 0 : i32
    return %arg0, %c0_i32 : i32, i32
  }
  func.func @transform_4(%arg0: i32) -> (i32, i32) {
    %c0_i32 = arith.constant 0 : i32
    %c0_i32_0 = arith.constant 0 : i32
    %c0_i32_1 = arith.constant 0 : i32
    return %c0_i32, %c0_i32_0 : i32, i32
  }
  func.func @transform_5(%arg0: i32) -> (i32, i32) {
    %c0_i32 = arith.constant 0 : i32
    %c0_i32_0 = arith.constant 0 : i32
    %c0_i32_1 = arith.constant 0 : i32
    return %c0_i32, %c0_i32_0 : i32, i32
  }
  func.func @transform_6(%arg0: i32) -> (i32, i32) {
    %c0_i32 = arith.constant 0 : i32
    %c0_i32_0 = arith.constant 0 : i32
    %c0_i32_1 = arith.constant 0 : i32
    return %c0_i32, %c0_i32_0 : i32, i32
  }
  func.func @transform_7(%arg0: i32) -> (i32, i32) {
    %c0_i32 = arith.constant 0 : i32
    %c0_i32_0 = arith.constant 0 : i32
    %c0_i32_1 = arith.constant 0 : i32
    return %c0_i32, %c0_i32_0 : i32, i32
  }
  func.func @transform_8(%arg0: i32) -> (i32, i32) {
    %c0_i32 = arith.constant 0 : i32
    %c0_i32_0 = arith.constant 0 : i32
    %c0_i32_1 = arith.constant 0 : i32
    return %c0_i32, %c0_i32_0 : i32, i32
  }
  func.func @transform_9(%arg0: i32) -> (i32, i32) {
    %c0_i32 = arith.constant 0 : i32
    %c0_i32_0 = arith.constant 0 : i32
    %c0_i32_1 = arith.constant 0 : i32
    return %c0_i32, %c0_i32_0 : i32, i32
  }
  func.func @transform_10(%arg0: i32) -> (i32, i32, i32) {
    %c0_i32 = arith.constant 0 : i32
    %c0_i32_0 = arith.constant 0 : i32
    %c0_i32_1 = arith.constant 0 : i32
    return %arg0, %c0_i32, %c0_i32_0 : i32, i32, i32
  }
}

</mosaic_0001>

<sc_bundles>
// kernel: kernel.5.cloned.1.call-start
scs
__scs_entry_jumppad:
0x0: {  	(pc) =	sbr.rel $0x88, $3  }
0x1: {  	(tag) =	ssettag $0x0;
	lr =	simm.s32 $0x1  }
0x2: {  	[smem:$0x3F94] =	sst lr;
	_ =	strace $0xD0000000  }
0x3: {  	_ = 	snop  }
0x4: {  	_ = 	snop  }
0x5: {  	_ = 	snop  }
0x6: {  	_ = 	snop  }
0x7: {  	_ = 	snop  }
__scs_overlays_trampoline_lowered:
0x8: {  	[smem:$0x3FA3] =	sst s0  }
0x9: {  	[smem:$0x3FA4] =	sst s1  }
0xa: {  	[smem:$0x3FA5] =	sst s2  }
0xb: {  	[smem:$0x3FA6] =	sst s3  }
0xc: {  	[smem:$0x3FA7] =	sst s4  }
0xd: {  	[smem:$0x3FA8] =	sst s5  }
0xe: {  	[smem:$0x3FA9] =	sst s6  }
0xf: {  	[smem:$0x3FAA] =	sst s7  }
0x10: {  	[smem:$0x3FAB] =	sst s8  }
0x11: {  	[smem:$0x3FAC] =	sst s9;
	s0 =	simm.s32 @!p0 $0x0  }
0x12: {  	s1 =	sld [smem:$0x3F92];
	s0 =	simm.s32 @p0 $0x1  }
0x13: {  	[smem:$0x3FAD] =	sst s0;
	s0 =	simm.s32 @!p1 $0x0  }
0x14: {  	s2 =	sld [smem:$0x3F91];
	s0 =	simm.s32 @p1 $0x1  }
0x15: {  	[smem:$0x3FAE] =	sst s0;
	s0 =	simm.s32 @!p2 $0x0  }
0x16: {  	s3 =	sld [smem:$0x3FDB];
	s0 =	simm.s32 @p2 $0x1  }
0x17: {  	s4 =	simm.s32 $0x1BF5;
	[smem:$0x3FB0] =	sst s0  }
0x18: {  	s0 =	sld [smem:$0x3F93];
	_ =	swait.ge [sflag:s4], $0x0  }
0x19: {  	s7 =	sld [smem:$0x3F94]  }
0x1a: {  	s8 =	sadd.s32 $0xFFFFE003, lr  }
0x1b: {  	s9 =	sadd.s32 $0xFFFFFEF7, lr;
	s5 =	simm.s32 $0xFFFFFFFF;
	p2 =	slt.u32 s8, $0xFFFFF086  }
0x1c: {  	p1 =	slt.u32 s9, $0xF7A;
	s5 =	simm.s32 @!p2 $0x0  }
0x1d: {  	s5 =	simm.s32 @p1 $0x1;
	p0 =	seq.s32 s7, s2  }
0x1e: {  	s7 =	smul.u32 @!p0 $0xF7A, s2;
	p2 =	seq.s32 @!p0 s5, $0x0  }
0x1f: {  	s9 =	smul.u32 $0xF7A, s1;
	s8 =	simm.s32 @!p0 $0x1BF5;
	p2 =	por !p2, p0  }
0x20: {  	[sflag:s8] =	ssyncset.s32 @!p0 $0xFFFFF086;
	s6 =	sadd.s32 @!p0 s3, s7;
	s7 =	simm.s32 @!p0 $0x108  }
0x21: {  	s3 =	sadd.s32 s3, s9;
	s6 =	sadd.s32 @!p0 $0x88, s6;
	s7 =	simm.s32 @p2 $0x1082  }
0x22: {  	[simem:s7], [sflag:s8] =	dma.local @!p0 [hbm:s6], $0xF7A  }
0x23: {  	s9 =	sor.u32 $0xD0000000, s2;
	s6 =	simm.s32 $0x108;
	_ =	swait.ge @!p0 [sflag:s8], $0x0  }
0x24: {  	s3 =	sadd.s32 $0x88, s3;
	s6 =	simm.s32 @!p1 $0x1082;
	[sflag:s4] =	ssyncset.s32 $0xFFFFF086  }
0x25: {  	[simem:s6], [sflag:s4] =	dma.local [hbm:s3], $0xF7A  }
0x26: {  	[smem:$0x3F94] =	sst s1;
	(tag) =	ssettag s2;
	_ =	strace s9  }
0x27: {  	s1 =	sld [smem:$0x3FA4]  }
0x28: {  	s2 =	sld [smem:$0x3FA5]  }
0x29: {  	s4 =	sld [smem:$0x3FA7]  }
0x2a: {  	p0 =	seq.s32 s5, $0x0;
	s5 =	sld [smem:$0x3FA8]  }
0x2b: {  	s6 =	sld [smem:$0x3FA9]  }
0x2c: {  	s7 =	sld [smem:$0x3FAA]  }
0x2d: {  	s3 =	simm.s32 $0x108;
	s8 =	sld [smem:$0x3FAB]  }
0x2e: {  	s3 =	simm.s32 @!p0 $0x1082;
	s9 =	sld [smem:$0x3FAC]  }
0x2f: {  	lr =	sadd.s32 s0, s3;
	s0 =	sld [smem:$0x3FA3]  }
0x30: {  	s3 =	sld [smem:$0x3FA6]  }
0x31: {  	[smem:$0x3FAF] =	sst s10  }
0x32: {  	s10 =	sld [smem:$0x3FAD];
	_ =	sdelay $0x3  }
0x33: {  	p0 =	seq.s32 s10, $0x1;
	s10 =	sld [smem:$0x3FAF];
	_ =	sdelay $0x3  }
0x34: {  	[smem:$0x3FAF] =	sst s10  }
0x35: {  	s10 =	sld [smem:$0x3FAE];
	_ =	sdelay $0x3  }
0x36: {  	p1 =	seq.s32 s10, $0x1;
	s10 =	sld [smem:$0x3FAF];
	_ =	sdelay $0x3  }
0x37: {  	[smem:$0x3FAF] =	sst s10  }
0x38: {  	s10 =	sld [smem:$0x3FB0]  }
0x39: {  	_ = 	snop;
	(pc) =	sbr.ind lr, $3  }
0x3a: {  	_ = 	snop  }
0x3b: {  	_ = 	snop  }
0x3c: {  	p2 =	seq.s32 s10, $0x1;
	s10 =	sld [smem:$0x3FAF]  }
0x3d: {  	_ =	shalt  }
0x3e: {  	_ =	shalt  }
0x3f: {  	_ =	shalt  }
0x40: {  	_ =	shalt  }
0x41: {  	_ =	shalt  }
0x42: {  	_ =	shalt  }
0x43: {  	_ =	shalt  }
0x44: {  	_ =	shalt  }
0x45: {  	_ =	shalt  }
0x46: {  	_ =	shalt  }
0x47: {  	_ =	shalt  }
0x48: {  	_ =	shalt  }
0x49: {  	_ =	shalt  }
0x4a: {  	_ =	shalt  }
0x4b: {  	_ =	shalt  }
0x4c: {  	_ =	shalt  }
0x4d: {  	_ =	shalt  }
0x4e: {  	_ =	shalt  }
0x4f: {  	_ =	shalt  }
0x50: {  	_ =	shalt  }
0x51: {  	_ =	shalt  }
0x52: {  	_ =	shalt  }
0x53: {  	_ =	shalt  }
0x54: {  	_ =	shalt  }
0x55: {  	_ =	shalt  }
0x56: {  	_ =	shalt  }
0x57: {  	_ =	shalt  }
0x58: {  	_ =	shalt  }
0x59: {  	_ =	shalt  }
0x5a: {  	_ =	shalt  }
0x5b: {  	_ =	shalt  }
0x5c: {  	_ =	shalt  }
0x5d: {  	_ =	shalt  }
0x5e: {  	_ =	shalt  }
0x5f: {  	_ =	shalt  }
0x60: {  	_ =	shalt  }
0x61: {  	_ =	shalt  }
0x62: {  	_ =	shalt  }
0x63: {  	_ =	shalt  }
0x64: {  	_ =	shalt  }
0x65: {  	_ =	shalt  }
0x66: {  	_ =	shalt  }
0x67: {  	_ =	shalt  }
0x68: {  	_ =	shalt  }
0x69: {  	_ =	shalt  }
0x6a: {  	_ =	shalt  }
0x6b: {  	_ =	shalt  }
0x6c: {  	_ =	shalt  }
0x6d: {  	_ =	shalt  }
0x6e: {  	_ =	shalt  }
0x6f: {  	_ =	shalt  }
0x70: {  	_ =	shalt  }
0x71: {  	_ =	shalt  }
0x72: {  	_ =	shalt  }
0x73: {  	_ =	shalt  }
0x74: {  	_ =	shalt  }
0x75: {  	_ =	shalt  }
0x76: {  	_ =	shalt  }
0x77: {  	_ =	shalt  }
0x78: {  	_ =	shalt  }
0x79: {  	_ =	shalt  }
0x7a: {  	_ =	shalt  }
0x7b: {  	_ =	shalt  }
0x7c: {  	_ =	shalt  }
0x7d: {  	_ =	shalt  }
0x7e: {  	_ =	shalt  }
0x7f: {  	_ =	shalt  }
0x80: {  	_ =	shalt  }
0x81: {  	_ =	shalt  }
0x82: {  	_ =	shalt  }
0x83: {  	_ =	shalt  }
0x84: {  	_ =	shalt  }
0x85: {  	_ =	shalt  }
0x86: {  	_ =	shalt  }
0x87: {  	_ =	shalt  }
.Lfunc_end0:
.L_simem_size_0:
called_computation.1_lowered:
.L_overlay_start_0:
0x88: {  	s2 =	sld [smem:$0x3FD9]  }
0x89: {  	s3 =	sld [smem:$0x3FFE];
	_ =	sdelay $0x1  }
0x8a: {  	s1 =	srdreg.scid  }
0x8b: {  	s0 =	sand.u32 $0x1, s1  }
0x8c: {  	s16 =	sshll.u32 s0, $0xA;
	s2 =	sadd.s32 s3, s2  }
0x8d: {  	s2 =	sadd.s32 s2, s16  }
0x8e: {  	[smem:$0x3FBB] =	sst s2  }
0x8f: {  	_ = 	snop  }
0x90: {  	(tm) =	ssettm $0x1  }
0x91: {  	s17 =	sld [smem:$0x3FFB];
	_ =	sdelay $0x3  }
0x92: {  	_ =	strace s17  }
0x93: {  	s2 =	sld [smem:$0x3FFC];
	_ =	sdelay $0x3  }
0x94: {  	_ =	strace s2  }
0x95: {  	s2 =	sld [smem:$0x3FFD];
	_ =	sdelay $0x3  }
0x96: {  	_ =	strace s2  }
0x97: {  	_ =	strace $0x8FFFFFFF  }
0x98: {  	s18 =	sld [smem:$0x3FDB];
	_ =	sdelay $0x1  }
0x99: {  	s19 =	simm.s32 $_scs_section_size  }
0x9a: {  	s4 =	simm.s32 $_size__tile_overlayer_lowered;
	s5 =	simm.s32 $_tile_overlayer_lowered  }
0x9b: {  	s22 =	simm.s32 $0x1BFF;
	s21 =	sshll.u32 s5, $0x1;
	s2 =	sadd.s32 s19, s18  }
0x9c: {  	s6 =	simm.s32 $0x0;
	s20 =	sshll.u32 s4, $0x1;
	s4 =	sadd.s32 s21, s2  }
0x9d: {  	[timem:s6], [sflag:s22] =	dma.local [hbm:s4], s20  }
0x9e: {  	_ =	swait.ge [sflag:s22], s20  }
0x9f: {  	s3 =	ssub.s32 $0x0, s20;
	[sflag:s22] =	ssyncset.done $0x0  }
0xa0: {  	[sflag:s22] =	ssyncadd.s32 s3;
	_ =	sdelay $0x1  }
0xa1: {  	s23 =	simm.s32 $0x1B8B  }
0xa2: {  	_ =	swait.ge [sflag:s23], $0x1  }
0xa3: {  	[sflag:s23] =	ssyncset.done $0x0  }
0xa4: {  	s25 =	simm.s32 $0x1B8E;
	s24 =	sld [smem:$0x3FFE];
	[sflag:s23] =	ssyncadd.s32 $0xFFFFFFFF  }
0xa5: {  	s26 =	simm.s32 $execute0_lowered;
	[smem:$0x3FD2] =	sst s25  }
0xa6: {  	s4 =	sshll.u32 s26, $0x1;
	_ =	strace $0x80000046;
	[dreg:$0x1] =	wrdreg $0xFFFFFFFF  }
0xa7: {  	s28 =	simm.s32 $_size_execute0_lowered;
	s2 =	sadd.s32 s2, s4;
	[dreg:$0x0] =	wrdreg $0x0  }
0xa8: {  	s4 =	sshll.u32 s28, $0x1;
	[dreg:$0x2] =	wrdreg s2  }
0xa9: {  	[dreg:$0x3] =	wrdreg s4  }
0xaa: {  	[dreg:$0x4] =	wrdreg $0xC0  }
0xab: {  	_ =	task [dreg:s6], $0x5FFFF  }
0xac: {  	[dreg:$0x1] =	wrdreg $0xFFFFFFFF  }
0xad: {  	[dreg:$0x0] =	wrdreg $0x60  }
0xae: {  	[dreg:$0x2] =	wrdreg s24  }
0xaf: {  	[dreg:$0x3] =	wrdreg $0x9  }
0xb0: {  	_ =	task.clear_ibuf [dreg:s6], $0x4FFFF;
	_ =	strace $0x90000046  }
0xb1: {  	s29 =	simm.s32 $0x9;
	_ =	strace $0x80000048  }
0xb2: {  	_ =	swait.ge [sflag:s29], $0x1  }
0xb3: {  	[sflag:s29] =	ssyncadd.s32 $0xFFFFFFFF  }
0xb4: {  	_ =	strace $0x90000048  }
0xb5: {  	_ =	sfence  }
0xb6: {  	s30 =	sld [smem:$0x0];
	_ =	sdelay $0x2  }
0xb7: {  	s31 =	sshll.u32 s1, $0xD;
	s1 =	sshrl.u32 s1, $0x2  }
0xb8: {  	s3 =	sand.u32 $0x4000, s31;
	s1 =	sadd.s32 s1, s30  }
0xb9: {  	s0 =	sor.u32 s3, s0;
	s1 =	sshll.u32 s1, $0x11  }
0xba: {  	s0 =	sor.u32 s1, s0  }
0xbb: {  	s0 =	sadd.s32 $0x8F2B, s0  }
0xbc: {  	[sflag:s0] =	ssyncadd.remote.s32 $0x1  }
0xbd: {  	_ =	sfence.sel $0xFFFF  }
0xbe: {  	[dreg:$0x0] =	wrdreg $0xFFFFFFFF;
	(pc) =	sbr.abs _section_cstart, $3  }
0xbf: {  	[dreg:$0x1] =	wrdreg $0xFFFFFFFF  }
0xc0: {  	_ =	task.clear_ibuf [dreg:s6], $0x2FFFF;
	_ =	strace $0x9FFFFFFF  }
0xc1: {  	(tm) =	ssettm $0x7FFFFFFF  }
tec
execute0_lowered:
.L_overlay_start_1:
0x0: {  	(tag) =	ssettag $0x1  }
0x1: {  	s5 =	rddreg [dreg:$0x0]  }
0x2: {  	s0 =	rddreg [dreg:$0x1];
	s1 =	simm.s32 $0x0;
	s6 =	srdreg.scid  }
0x3: {  	s2 =	stileid.u32;
	s13 =	simm.s32 $0x40;
	s14 =	simm.s32 $0x2080  }
0x4: {  	s15 =	simm.s32 $0x0;
	[smem:$0x7FF] =	sst s1;
	s3 =	sadd.s32 $0x15200, s5  }
0x5: {  	s4 =	sadd.s32 $0x1800, s5;
	s7 =	sand.u32 $0x1, s6;
	s9 =	sadd.s32 $0x28C00, s5  }
0x6: {  	s28 =	sshll.u32 s2, $0xC;
	p0 =	seq.s32 s2, $0x0;
	s11 =	sshll.u32 s2, $0x8  }
0x7: {  	_ =	strace $0x80000047;
	s8 =	ssub.s32 $0x2, s7;
	s10 =	sadd.s32 s28, s5  }
0x8: {  	s5 =	simm.s32 $0x28;
	s12 =	sshll.u32 s7, $0x7;
	s7 =	sshll.u32 s7, $0xB  }
0x9: {  	s29 =	sshrl.u32 s8, $0x1;
	s5 =	simm.s32 @!p0 $0x27;
	s30 =	sor.u32 s12, s11  }
0xa: {  	s7 =	sadd.s32 s7, s10;
	s10 =	simm.s32 $0x2;
	s12 =	simm.s32 $0x1  }
0xb: {  	s6 =	ssub.s32 s8, s29;
	s11 =	sadd.s32 $0x27100, s30;
	s8 =	sshrl.u32 s30, $0x3  }
0xc: {  	s7 =	sadd.s32 $0x32A00, s7;
	s6 =	smax.u32 s6, $0x1;
	s31 =	sshrl.u32 s11, $0x3  }
0xd: {  	s8 =	sadd.s32 s8, s9;
	s11 =	simm.s32 $0x80;
	s9 =	sadd.s32 s31, s9  }
.LBB2_1:
0xe: {  	[tilespmem:s1], [sflag:$0x2] =	stream.linear.gather [hbm4b:s8+s1], $0x80, $0x38;
	[tilespmem:$0x4080] =	vst v63  }
0xf: {  	_ =	swait.ge [sflag:s10], $0x80  }
0x10: {  	[sflag:s10] =	ssyncset.done $0x0  }
0x11: {  	[sflag:s10] =	ssyncadd.s32 $0xFFFFFF80  }
0x12: {  	[tilespmem:s11], [sflag:$0x1] =	stream.indirect.gather [hbm4b:s3+s11], $0x40, s1, s11, $0xb8;
	[tilespmem:$0x4080] =	vst v63  }
0x13: {  	_ =	swait.ge [sflag:s12], $0x2000  }
0x14: {  	[sflag:s12] =	ssyncset.done $0x0  }
0x15: {  	[sflag:s12] =	ssyncadd.s32 $0xFFFFE000  }
0x16: {  	[hbm4b:s7+s13] =	stream.strided.scatter [tilespmem:s11], [sflag:$0x2], $0x2000, s11, s13, $0x38;
	[tilespmem:$0x4080] =	vst v63  }
0x17: {  	_ =	swait.ge [sflag:s10], $0x2000  }
0x18: {  	[sflag:s10] =	ssyncset.done $0x0  }
0x19: {  	[sflag:s10] =	ssyncadd.s32 $0xFFFFE000  }
0x1a: {  	[tilespmem:s1], [sflag:$0x2] =	stream.linear.gather [hbm4b:s9+s1], $0x80, $0x38;
	[tilespmem:$0x4080] =	vst v63  }
0x1b: {  	_ =	swait.ge [sflag:s10], $0x80  }
0x1c: {  	[sflag:s10] =	ssyncset.done $0x0  }
0x1d: {  	[sflag:s10] =	ssyncadd.s32 $0xFFFFFF80  }
0x1e: {  	[tilespmem:s14], [sflag:$0x1] =	stream.indirect.gather [hbm4b:s4+s11], $0x40, s1, s11, $0xb8;
	[tilespmem:$0x4080] =	vst v63  }
0x1f: {  	p0 =	sne.s32 s5, $0x1;
	_ =	swait.ge [sflag:s12], $0x2000  }
.Ltmp0:
0x20: {  	[sflag:s12] =	ssyncset.done $0x0;
	(pc) =	sbr.rel @!p0 .LBB2_3-.Ltmp0, $4  }
0x21: {  	s16 =	sadd.s32 $0x8, s7;
	[sflag:s12] =	ssyncadd.s32 $0xFFFFE000  }
0x22: {  	[hbm4b:s16+s13] =	stream.strided.scatter [tilespmem:s14], [sflag:$0x2], $0x2000, s11, s13, $0x38;
	[tilespmem:$0x4080] =	vst v63  }
0x23: {  	s17 =	sadd.s32 $0x200, s9;
	s18 =	smov.u32 s7;
	_ =	swait.ge [sflag:s10], $0x2000  }
0x24: {  	s19 =	smov.u32 s8;
	s16 =	sadd.s32 $0xFFFFFFFF, s5;
	[sflag:s10] =	ssyncset.done $0x0  }
.LBB2_2:
0x25: {  	[sflag:s10] =	ssyncadd.s32 $0xFFFFE000;
	s18 =	sadd.s32 $0x10000, s18;
	s19 =	sadd.s32 $0x200, s19  }
0x26: {  	[tilespmem:s1], [sflag:$0x2] =	stream.linear.gather [hbm4b:s19+s1], $0x80, $0x38;
	[tilespmem:$0x4080] =	vst v63  }
0x27: {  	p0 =	sne.s32 s16, $0x1;
	s16 =	sadd.s32 $0xFFFFFFFF, s16;
	_ =	swait.ge [sflag:s10], $0x80  }
0x28: {  	[sflag:s10] =	ssyncset.done $0x0  }
0x29: {  	[sflag:s10] =	ssyncadd.s32 $0xFFFFFF80  }
0x2a: {  	[tilespmem:s11], [sflag:$0x1] =	stream.indirect.gather [hbm4b:s3+s11], $0x40, s1, s11, $0xb8;
	[tilespmem:$0x4080] =	vst v63  }
0x2b: {  	_ =	swait.ge [sflag:s12], $0x2000  }
0x2c: {  	[sflag:s12] =	ssyncset.done $0x0  }
0x2d: {  	[sflag:s12] =	ssyncadd.s32 $0xFFFFE000  }
0x2e: {  	[hbm4b:s18+s13] =	stream.strided.scatter [tilespmem:s11], [sflag:$0x2], $0x2000, s11, s13, $0x38;
	[tilespmem:$0x4080] =	vst v63  }
0x2f: {  	_ =	swait.ge [sflag:s10], $0x2000  }
0x30: {  	[sflag:s10] =	ssyncset.done $0x0  }
0x31: {  	[sflag:s10] =	ssyncadd.s32 $0xFFFFE000  }
0x32: {  	[tilespmem:s1], [sflag:$0x2] =	stream.linear.gather [hbm4b:s17+s1], $0x80, $0x38;
	[tilespmem:$0x4080] =	vst v63  }
0x33: {  	_ =	swait.ge [sflag:s10], $0x80  }
0x34: {  	[sflag:s10] =	ssyncset.done $0x0  }
0x35: {  	[sflag:s10] =	ssyncadd.s32 $0xFFFFFF80  }
0x36: {  	[tilespmem:s14], [sflag:$0x1] =	stream.indirect.gather [hbm4b:s4+s11], $0x40, s1, s11, $0xb8;
	[tilespmem:$0x4080] =	vst v63  }
0x37: {  	_ =	swait.ge [sflag:s12], $0x2000  }
.Ltmp1:
0x38: {  	[sflag:s12] =	ssyncset.done $0x0;
	(pc) =	sbr.rel @p0 .LBB2_2-.Ltmp1, $4  }
0x39: {  	s20 =	sadd.s32 $0x8, s18;
	[sflag:s12] =	ssyncadd.s32 $0xFFFFE000  }
0x3a: {  	[hbm4b:s20+s13] =	stream.strided.scatter [tilespmem:s14], [sflag:$0x2], $0x2000, s11, s13, $0x38;
	[tilespmem:$0x4080] =	vst v63  }
0x3b: {  	_ =	swait.ge [sflag:s10], $0x2000  }
0x3c: {  	s17 =	sadd.s32 $0x200, s17;
	[sflag:s10] =	ssyncset.done $0x0  }
.LBB2_3:
0x3d: {  	s15 =	sadd.s32 $0x1, s15  }
0x3e: {  	p0 =	sne.s32 s15, s6  }
.Ltmp2:
0x3f: {  	_ = 	snop;
	(pc) =	sbr.rel @p0 .LBB2_1-.Ltmp2, $2  }
0x40: {  	_ =	sdelay $0x2  }
0x41: {  	[sflag:s10] =	ssyncadd.s32 $0xFFFFE000  }
0x42: {  	_ =	sfence.sel $0x180000  }
0x43: {  	[bflag:$0x0] =	sbarrier.arrive $0xFFFF  }
0x44: {  	p0 =	sne.s32 s2, $0x0;
	_ =	strace $0x90000047  }
0x45: {  	s0 =	sadd.s32 @!p0 $0x100000, s0;
	[bflag:$0x2] =	sbarrier.arrive $0xFFFF  }
0x46: {  	[sflag:s0] =	ssyncadd.tile.s32 @!p0 $0x1;
	_ =	shalt  }
.Lfunc_end2:
_tile_overlayer_lowered:
.L_overlay_start_2:
0x47: {  	(tag) =	ssettag $0x2  }
0x48: {  	s0 =	rddreg [dreg:$0x0];
	s2 =	stileid.u32  }
0x49: {  	s1 =	rddreg [dreg:$0x1];
	p0 =	sne.s32 s2, $0x0  }
0x4a: {  	s3 =	rddreg [dreg:$0x2];
	[bflag:$0x3] =	sbarrier.arrive $0xFFFF;
	s2 =	simm.s32 @!p0 $0x1C02  }
0x4b: {  	[timem:s3], [sflag:s2] =	dma.local @!p0 [hbm:s0], s1  }
0x4c: {  	s0 =	simm.s32 @!p0 $0x2  }
0x4d: {  	_ =	swait.ge @!p0 [sflag:s0], s1  }
0x4e: {  	s1 =	ssub.s32 @!p0 $0x0, s1;
	[sflag:s0] =	ssyncset.done @!p0 $0x0  }
0x4f: {  	[sflag:s0] =	ssyncadd.s32 @!p0 s1  }
0x50: {  	[bflag:$0x3] =	sbarrier.arrive $0xFFFF  }
0x51: {  	_ =	shalt  }

// kernel: kernel.8.cloned.1.call-start
scs
__scs_entry_jumppad:
0x0: {  	(pc) =	sbr.rel $0x88, $3  }
0x1: {  	(tag) =	ssettag $0x0;
	lr =	simm.s32 $0x1  }
0x2: {  	[smem:$0x3F94] =	sst lr;
	_ =	strace $0xD0000000  }
0x3: {  	_ = 	snop  }
0x4: {  	_ = 	snop  }
0x5: {  	_ = 	snop  }
0x6: {  	_ = 	snop  }
0x7: {  	_ = 	snop  }
__scs_overlays_trampoline_lowered:
0x8: {  	[smem:$0x3FA3] =	sst s0  }
0x9: {  	[smem:$0x3FA4] =	sst s1  }
0xa: {  	[smem:$0x3FA5] =	sst s2  }
0xb: {  	[smem:$0x3FA6] =	sst s3  }
0xc: {  	[smem:$0x3FA7] =	sst s4  }
0xd: {  	[smem:$0x3FA8] =	sst s5  }
0xe: {  	[smem:$0x3FA9] =	sst s6  }
0xf: {  	[smem:$0x3FAA] =	sst s7  }
0x10: {  	[smem:$0x3FAB] =	sst s8  }
0x11: {  	[smem:$0x3FAC] =	sst s9;
	s0 =	simm.s32 @!p0 $0x0  }
0x12: {  	s1 =	sld [smem:$0x3F92];
	s0 =	simm.s32 @p0 $0x1  }
0x13: {  	[smem:$0x3FAD] =	sst s0;
	s0 =	simm.s32 @!p1 $0x0  }
0x14: {  	s2 =	sld [smem:$0x3F91];
	s0 =	simm.s32 @p1 $0x1  }
0x15: {  	[smem:$0x3FAE] =	sst s0;
	s0 =	simm.s32 @!p2 $0x0  }
0x16: {  	s3 =	sld [smem:$0x3FDB];
	s0 =	simm.s32 @p2 $0x1  }
0x17: {  	s4 =	simm.s32 $0x1BF5;
	[smem:$0x3FB0] =	sst s0  }
0x18: {  	s0 =	sld [smem:$0x3F93];
	_ =	swait.ge [sflag:s4], $0x0  }
0x19: {  	s7 =	sld [smem:$0x3F94]  }
0x1a: {  	s8 =	sadd.s32 $0xFFFFE003, lr  }
0x1b: {  	s9 =	sadd.s32 $0xFFFFFEF7, lr;
	s5 =	simm.s32 $0xFFFFFFFF;
	p2 =	slt.u32 s8, $0xFFFFF086  }
0x1c: {  	p1 =	slt.u32 s9, $0xF7A;
	s5 =	simm.s32 @!p2 $0x0  }
0x1d: {  	s5 =	simm.s32 @p1 $0x1;
	p0 =	seq.s32 s7, s2  }
0x1e: {  	s7 =	smul.u32 @!p0 $0xF7A, s2;
	p2 =	seq.s32 @!p0 s5, $0x0  }
0x1f: {  	s9 =	smul.u32 $0xF7A, s1;
	s8 =	simm.s32 @!p0 $0x1BF5;
	p2 =	por !p2, p0  }
0x20: {  	[sflag:s8] =	ssyncset.s32 @!p0 $0xFFFFF086;
	s6 =	sadd.s32 @!p0 s3, s7;
	s7 =	simm.s32 @!p0 $0x108  }
0x21: {  	s3 =	sadd.s32 s3, s9;
	s6 =	sadd.s32 @!p0 $0x88, s6;
	s7 =	simm.s32 @p2 $0x1082  }
0x22: {  	[simem:s7], [sflag:s8] =	dma.local @!p0 [hbm:s6], $0xF7A  }
0x23: {  	s9 =	sor.u32 $0xD0000000, s2;
	s6 =	simm.s32 $0x108;
	_ =	swait.ge @!p0 [sflag:s8], $0x0  }
0x24: {  	s3 =	sadd.s32 $0x88, s3;
	s6 =	simm.s32 @!p1 $0x1082;
	[sflag:s4] =	ssyncset.s32 $0xFFFFF086  }
0x25: {  	[simem:s6], [sflag:s4] =	dma.local [hbm:s3], $0xF7A  }
0x26: {  	[smem:$0x3F94] =	sst s1;
	(tag) =	ssettag s2;
	_ =	strace s9  }
0x27: {  	s1 =	sld [smem:$0x3FA4]  }
0x28: {  	s2 =	sld [smem:$0x3FA5]  }
0x29: {  	s4 =	sld [smem:$0x3FA7]  }
0x2a: {  	p0 =	seq.s32 s5, $0x0;
	s5 =	sld [smem:$0x3FA8]  }
0x2b: {  	s6 =	sld [smem:$0x3FA9]  }
0x2c: {  	s7 =	sld [smem:$0x3FAA]  }
0x2d: {  	s3 =	simm.s32 $0x108;
	s8 =	sld [smem:$0x3FAB]  }
0x2e: {  	s3 =	simm.s32 @!p0 $0x1082;
	s9 =	sld [smem:$0x3FAC]  }
0x2f: {  	lr =	sadd.s32 s0, s3;
	s0 =	sld [smem:$0x3FA3]  }
0x30: {  	s3 =	sld [smem:$0x3FA6]  }
0x31: {  	[smem:$0x3FAF] =	sst s10  }
0x32: {  	s10 =	sld [smem:$0x3FAD];
	_ =	sdelay $0x3  }
0x33: {  	p0 =	seq.s32 s10, $0x1;
	s10 =	sld [smem:$0x3FAF];
	_ =	sdelay $0x3  }
0x34: {  	[smem:$0x3FAF] =	sst s10  }
0x35: {  	s10 =	sld [smem:$0x3FAE];
	_ =	sdelay $0x3  }
0x36: {  	p1 =	seq.s32 s10, $0x1;
	s10 =	sld [smem:$0x3FAF];
	_ =	sdelay $0x3  }
0x37: {  	[smem:$0x3FAF] =	sst s10  }
0x38: {  	s10 =	sld [smem:$0x3FB0]  }
0x39: {  	_ = 	snop;
	(pc) =	sbr.ind lr, $3  }
0x3a: {  	_ = 	snop  }
0x3b: {  	_ = 	snop  }
0x3c: {  	p2 =	seq.s32 s10, $0x1;
	s10 =	sld [smem:$0x3FAF]  }
0x3d: {  	_ =	shalt  }
0x3e: {  	_ =	shalt  }
0x3f: {  	_ =	shalt  }
0x40: {  	_ =	shalt  }
0x41: {  	_ =	shalt  }
0x42: {  	_ =	shalt  }
0x43: {  	_ =	shalt  }
0x44: {  	_ =	shalt  }
0x45: {  	_ =	shalt  }
0x46: {  	_ =	shalt  }
0x47: {  	_ =	shalt  }
0x48: {  	_ =	shalt  }
0x49: {  	_ =	shalt  }
0x4a: {  	_ =	shalt  }
0x4b: {  	_ =	shalt  }
0x4c: {  	_ =	shalt  }
0x4d: {  	_ =	shalt  }
0x4e: {  	_ =	shalt  }
0x4f: {  	_ =	shalt  }
0x50: {  	_ =	shalt  }
0x51: {  	_ =	shalt  }
0x52: {  	_ =	shalt  }
0x53: {  	_ =	shalt  }
0x54: {  	_ =	shalt  }
0x55: {  	_ =	shalt  }
0x56: {  	_ =	shalt  }
0x57: {  	_ =	shalt  }
0x58: {  	_ =	shalt  }
0x59: {  	_ =	shalt  }
0x5a: {  	_ =	shalt  }
0x5b: {  	_ =	shalt  }
0x5c: {  	_ =	shalt  }
0x5d: {  	_ =	shalt  }
0x5e: {  	_ =	shalt  }
0x5f: {  	_ =	shalt  }
0x60: {  	_ =	shalt  }
0x61: {  	_ =	shalt  }
0x62: {  	_ =	shalt  }
0x63: {  	_ =	shalt  }
0x64: {  	_ =	shalt  }
0x65: {  	_ =	shalt  }
0x66: {  	_ =	shalt  }
0x67: {  	_ =	shalt  }
0x68: {  	_ =	shalt  }
0x69: {  	_ =	shalt  }
0x6a: {  	_ =	shalt  }
0x6b: {  	_ =	shalt  }
0x6c: {  	_ =	shalt  }
0x6d: {  	_ =	shalt  }
0x6e: {  	_ =	shalt  }
0x6f: {  	_ =	shalt  }
0x70: {  	_ =	shalt  }
0x71: {  	_ =	shalt  }
0x72: {  	_ =	shalt  }
0x73: {  	_ =	shalt  }
0x74: {  	_ =	shalt  }
0x75: {  	_ =	shalt  }
0x76: {  	_ =	shalt  }
0x77: {  	_ =	shalt  }
0x78: {  	_ =	shalt  }
0x79: {  	_ =	shalt  }
0x7a: {  	_ =	shalt  }
0x7b: {  	_ =	shalt  }
0x7c: {  	_ =	shalt  }
0x7d: {  	_ =	shalt  }
0x7e: {  	_ =	shalt  }
0x7f: {  	_ =	shalt  }
0x80: {  	_ =	shalt  }
0x81: {  	_ =	shalt  }
0x82: {  	_ =	shalt  }
0x83: {  	_ =	shalt  }
0x84: {  	_ =	shalt  }
0x85: {  	_ =	shalt  }
0x86: {  	_ =	shalt  }
0x87: {  	_ =	shalt  }
.Lfunc_end0:
.L_simem_size_0:
called_computation.2_lowered:
.L_overlay_start_0:
0x88: {  	s2 =	sld [smem:$0x3FD9]  }
0x89: {  	s3 =	sld [smem:$0x3FFE];
	_ =	sdelay $0x1  }
0x8a: {  	s1 =	srdreg.scid  }
0x8b: {  	s0 =	sand.u32 $0x1, s1  }
0x8c: {  	s16 =	sshll.u32 s0, $0xA;
	s2 =	sadd.s32 s3, s2  }
0x8d: {  	s2 =	sadd.s32 s2, s16  }
0x8e: {  	[smem:$0x3FBB] =	sst s2  }
0x8f: {  	_ = 	snop  }
0x90: {  	(tm) =	ssettm $0x1  }
0x91: {  	s17 =	sld [smem:$0x3FFB];
	_ =	sdelay $0x3  }
0x92: {  	_ =	strace s17  }
0x93: {  	s2 =	sld [smem:$0x3FFC];
	_ =	sdelay $0x3  }
0x94: {  	_ =	strace s2  }
0x95: {  	s2 =	sld [smem:$0x3FFD];
	_ =	sdelay $0x3  }
0x96: {  	_ =	strace s2  }
0x97: {  	_ =	strace $0x8FFFFFFF  }
0x98: {  	s18 =	sld [smem:$0x3FDB];
	_ =	sdelay $0x1  }
0x99: {  	s19 =	simm.s32 $_scs_section_size  }
0x9a: {  	s4 =	simm.s32 $_size__tile_overlayer_lowered;
	s5 =	simm.s32 $_tile_overlayer_lowered  }
0x9b: {  	s22 =	simm.s32 $0x1BFF;
	s21 =	sshll.u32 s5, $0x1;
	s2 =	sadd.s32 s19, s18  }
0x9c: {  	s6 =	simm.s32 $0x0;
	s20 =	sshll.u32 s4, $0x1;
	s4 =	sadd.s32 s21, s2  }
0x9d: {  	[timem:s6], [sflag:s22] =	dma.local [hbm:s4], s20  }
0x9e: {  	_ =	swait.ge [sflag:s22], s20  }
0x9f: {  	s3 =	ssub.s32 $0x0, s20;
	[sflag:s22] =	ssyncset.done $0x0  }
0xa0: {  	[sflag:s22] =	ssyncadd.s32 s3;
	_ =	sdelay $0x1  }
0xa1: {  	s23 =	simm.s32 $0x1B8B  }
0xa2: {  	_ =	swait.ge [sflag:s23], $0x1  }
0xa3: {  	[sflag:s23] =	ssyncset.done $0x0  }
0xa4: {  	s25 =	simm.s32 $0x1B8E;
	s24 =	sld [smem:$0x3FFE];
	[sflag:s23] =	ssyncadd.s32 $0xFFFFFFFF  }
0xa5: {  	s26 =	simm.s32 $execute0_lowered;
	[smem:$0x3FD2] =	sst s25  }
0xa6: {  	s4 =	sshll.u32 s26, $0x1;
	_ =	strace $0x80000049;
	[dreg:$0x1] =	wrdreg $0xFFFFFFFF  }
0xa7: {  	s28 =	simm.s32 $_size_execute0_lowered;
	s2 =	sadd.s32 s2, s4;
	[dreg:$0x0] =	wrdreg $0x0  }
0xa8: {  	s4 =	sshll.u32 s28, $0x1;
	[dreg:$0x2] =	wrdreg s2  }
0xa9: {  	[dreg:$0x3] =	wrdreg s4  }
0xaa: {  	[dreg:$0x4] =	wrdreg $0xC0  }
0xab: {  	_ =	task [dreg:s6], $0x5FFFF  }
0xac: {  	[dreg:$0x1] =	wrdreg $0xFFFFFFFF  }
0xad: {  	[dreg:$0x0] =	wrdreg $0x60  }
0xae: {  	[dreg:$0x2] =	wrdreg s24  }
0xaf: {  	[dreg:$0x3] =	wrdreg $0x0  }
0xb0: {  	[dreg:$0x4] =	wrdreg $0x9  }
0xb1: {  	_ =	task.clear_ibuf [dreg:s6], $0x5FFFF;
	_ =	strace $0x90000049  }
0xb2: {  	s29 =	simm.s32 $0x9;
	_ =	strace $0x8000004B  }
0xb3: {  	_ =	swait.ge [sflag:s29], $0x1  }
0xb4: {  	[sflag:s29] =	ssyncadd.s32 $0xFFFFFFFF  }
0xb5: {  	_ =	strace $0x9000004B  }
0xb6: {  	_ =	sfence  }
0xb7: {  	s30 =	sld [smem:$0x0];
	_ =	sdelay $0x2  }
0xb8: {  	s31 =	sshll.u32 s1, $0xD;
	s1 =	sshrl.u32 s1, $0x2  }
0xb9: {  	s3 =	sand.u32 $0x4000, s31;
	s1 =	sadd.s32 s1, s30  }
0xba: {  	s0 =	sor.u32 s3, s0;
	s1 =	sshll.u32 s1, $0x11  }
0xbb: {  	s0 =	sor.u32 s1, s0  }
0xbc: {  	s0 =	sadd.s32 $0x8F2B, s0  }
0xbd: {  	[sflag:s0] =	ssyncadd.remote.s32 $0x1  }
0xbe: {  	_ =	sfence.sel $0xFFFF  }
0xbf: {  	[dreg:$0x0] =	wrdreg $0xFFFFFFFF;
	(pc) =	sbr.abs _section_cstart, $3  }
0xc0: {  	[dreg:$0x1] =	wrdreg $0xFFFFFFFF  }
0xc1: {  	_ =	task.clear_ibuf [dreg:s6], $0x2FFFF;
	_ =	strace $0x9FFFFFFF  }
0xc2: {  	(tm) =	ssettm $0x7FFFFFFF  }
0xc3: {  	_ =	shalt  }
tec
execute0_lowered:
.L_overlay_start_1:
0x0: {  	(tag) =	ssettag $0x1  }
0x1: {  	s8 =	rddreg [dreg:$0x0]  }
0x2: {  	s2 =	rddreg [dreg:$0x1]  }
0x3: {  	s0 =	rddreg [dreg:$0x2]  }
0x4: {  	s3 =	simm.s32 $0x0;
	s1 =	stileid.u32;
	s7 =	srdreg.scid  }
0x5: {  	s17 =	simm.s32 $0xBC40;
	s18 =	simm.s32 $0xE350;
	s19 =	simm.s32 $0x10A70  }
0x6: {  	s20 =	simm.s32 $0x1;
	s21 =	simm.s32 $0x13190;
	s22 =	simm.s32 $0x0  }
0x7: {  	[smem:$0x7FF] =	sst s3;
	s4 =	smul.u32 $0x2710, s1;
	s5 =	sadd.s32 $0x10FB800, s8  }
0x8: {  	s6 =	sadd.s32 $0x14A5000, s8;
	s7 =	sand.u32 $0x1, s7;
	s10 =	smul.u32 $0x2D000, s1  }
0x9: {  	s12 =	smul.u32 $0x3000, s1;
	s15 =	sshll.u32 s1, $0x6;
	p0 =	sgt.u32 s1, $0x9  }
0xa: {  	_ =	strace $0x8000004A;
	s31 =	ssub.s32 $0x2, s7;
	s9 =	sshrl.u32 s4, $0x3  }
0xb: {  	s13 =	sshrl.u32 s31, $0x1;
	s10 =	sshrl.u32 s10, $0x2;
	s12 =	sshrl.u32 s12, $0x2  }
.Ltmp0:
0xc: {  	s11 =	sadd.s32 s9, s8;
	s8 =	sadd.s32 $0x2A8A00, s8;
	(pc) =	sbr.rel .LBB2_1-.Ltmp0, $4  }
0xd: {  	s13 =	ssub.s32 s31, s13;
	s14 =	sadd.s32 s10, s2;
	s12 =	sadd.s32 s12, s2  }
0xe: {  	s9 =	smul.u32 $0xF, s1;
	s10 =	sor.u32 $0xF0, s1;
	s16 =	sadd.s32 $0xB4000, s12  }
0xf: {  	v0 =	vlaneseq.u32;
	s11 =	sadd.s32 $0x2A3A00, s11;
	s12 =	smax.u32 s13, $0x1;
	s13 =	sor.u32 $0x1C02, s15  }
0x10: {  	v1 =	vimm.s32 $0x0;
	v2 =	vimm.s32 $0xFA;
	vm0 =	vmmov $0xffff;
	s14 =	sshrl.u32 s14, $0x3;
	s15 =	simm.s32 $0x2;
	s16 =	sshrl.u32 @!p0 s16, $0x3  }
.LBB2_9:
0x11: {  	s22 =	sadd.s32 $0x1, s22  }
0x12: {  	p1 =	sne.s32 s22, s12  }
.Ltmp1:
0x13: {  	_ = 	snop;
	(pc) =	sbr.rel @!p1 .LBB2_10-.Ltmp1, $1  }
0x14: {  	_ =	sdelay $0x3  }
.LBB2_1:
.Ltmp2:
0x15: {  	(pc) =	sbr.rel .LBB2_2-.Ltmp2, $2  }
0x16: {  	_ =	sdelay $0x2  }
0x17: {  	s23 =	simm.s32 $0x0  }
.LBB2_7:
0x18: {  	[sflag:s15] =	ssyncadd.s32 $0xFFFF4000  }
.LBB2_8:
0x19: {  	[bflag:$0x0] =	sbarrier.arrive $0xFFFF;
	s24 =	sadd.s32 s8, s24  }
0x1a: {  	[hbm:s24], [sflag:s13] =	dma.local [spmem:s14], $0x1680  }
0x1b: {  	_ =	swait.ge [sflag:s15], $0x1680  }
0x1c: {  	[sflag:s15] =	ssyncset.done $0x0  }
0x1d: {  	s23 =	sadd.s32 $0x1, s23;
	s24 =	sadd.s32 @!p0 s8, s25;
	[sflag:s15] =	ssyncadd.s32 $0xFFFFE980  }
0x1e: {  	[hbm:s24], [sflag:s13] =	dma.local @!p0 [spmem:s16], $0x180  }
0x1f: {  	p1 =	sne.s32 s23, $0x14;
	s24 =	simm.s32 @!p0 $0x2  }
.Ltmp3:
0x20: {  	_ =	swait.ge @!p0 [sflag:s24], $0x180;
	(pc) =	sbr.rel @!p1 .LBB2_9-.Ltmp3, $3  }
0x21: {  	[sflag:s24] =	ssyncset.done @!p0 $0x0  }
0x22: {  	[sflag:s24] =	ssyncadd.s32 @!p0 $0xFFFFFE80  }
0x23: {  	[bflag:$0x0] =	sbarrier.arrive $0xFFFF;
	_ =	sdelay $0x1  }
.LBB2_2:
0x24: {  	s24 =	sshll.u32 s23, $0x1  }
0x25: {  	s24 =	sor.u32 s7, s24  }
0x26: {  	s28 =	smul.u32 $0xFA, s24;
	_ =	sdelay $0x1  }
0x27: {  	s24 =	sadd.s32 s9, s28  }
0x28: {  	s24 =	smul.u32 $0x180, s24;
	_ =	sdelay $0x1  }
0x29: {  	s25 =	sadd.s32 s5, s24  }
0x2a: {  	[spmem:s14], [sflag:s13] =	dma.local [hbm:s25], $0x1680  }
0x2b: {  	s25 =	sadd.s32 @!p0 s28, s10  }
0x2c: {  	_ =	swait.ge [sflag:s15], $0x1680;
	s25 =	smul.u32 @!p0 $0x180, s25  }
0x2d: {  	[sflag:s15] =	ssyncset.done $0x0  }
0x2e: {  	[sflag:s15] =	ssyncadd.s32 $0xFFFFE980;
	s26 =	sadd.s32 @!p0 s5, s25  }
0x2f: {  	[spmem:s16], [sflag:s13] =	dma.local @!p0 [hbm:s26], $0x180  }
0x30: {  	s26 =	simm.s32 @!p0 $0x2  }
0x31: {  	_ =	swait.ge @!p0 [sflag:s26], $0x180  }
0x32: {  	[sflag:s26] =	ssyncset.done @!p0 $0x0  }
0x33: {  	[sflag:s26] =	ssyncadd.s32 @!p0 $0xFFFFFE80  }
0x34: {  	s26 =	simm.s32 $0x0;
	[bflag:$0x0] =	sbarrier.arrive $0xFFFF  }
0x35: {  	[tilespmem:s17], [sflag:$0x2] =	stream.linear.gather [hbm4b:s11+s26], $0x2710, $0x38;
	[tilespmem:$0x1F190] =	vst v63  }
0x36: {  	_ =	swait.ge [sflag:s15], $0x2710  }
0x37: {  	[sflag:s15] =	ssyncset.done $0x0  }
0x38: {  	s29 =	simm.s32 $0x0;
	[sflag:s15] =	ssyncadd.s32 $0xFFFFD8F0  }
0x39: {  	v4 =	vld [tilespmem:s29+$0xBC40];
	_ =	sdelay $0x3  }
0x3a: {  	v3 =	vmov s28  }
0x3b: {  	v4 =	vsub.s32 v4, v3  }
0x3c: {  	vm1 =	vlt.u32 v4, $0xFA  }
0x3d: {  	v5 =	vsel vm1, $0x1, v1  }
0x3e: {  	(xrf0) =	vadd.scan.msk.s32 $0xffff, v5;
	_ =	sdelay $0x2  }
0x3f: {  	v5 =	vmov s26  }
0x40: {  	v5 =	vadd.s32 $0xFFFFFFFF, v5  }
0x41: {  	v5 =	vbroadcast v5, $0x0  }
0x42: {  	v6, _, _ =	vpop (xrf0)  }
0x43: {  	v5 =	vadd.s32 v6, v5;
	(v2sf) =	vpush v6, $0xF;
	_ =	sdelay $0x3  }
0x44: {  	v7 =	vor.u32 s4, v0  }
0x45: {  	[tilespmem:v5+s18+$0x0] =	vst.idx.msk vm1, v7  }
0x46: {  	s30 =	simm.s32 $0x10;
	s28 =	smov.u32 s4;
	s29 =	simm.s32 $0x80;
	[tilespmem:v5+s19+$0x0] =	vst.idx.msk vm1, v4  }
.LBB2_3:
0x47: {  	p1 =	sne.s32 s29, $0x9C00;
	v4 =	vld [tilespmem:s30+$0xBC40];
	_ =	sdelay $0x4  }
0x48: {  	v4 =	vsub.s32 v4, v3  }
0x49: {  	vm1 =	vlt.u32 v4, $0xFA  }
0x4a: {  	v5 =	vsel vm1, $0x1, v1  }
0x4b: {  	(xrf0) =	vadd.scan.msk.s32 $0xffff, v5;
	s30 =	spop (v2sf)  }
0x4c: {  	s26 =	sadd.s32 s26, s30  }
0x4d: {  	v5 =	vmov s26  }
0x4e: {  	v5 =	vadd.s32 $0xFFFFFFFF, v5  }
0x4f: {  	v5 =	vbroadcast v5, $0x0;
	_ =	sdelay $0x1  }
0x50: {  	v6, _, _ =	vpop (xrf0)  }
0x51: {  	v5 =	vadd.s32 v6, v5;
	(v2sf) =	vpush v6, $0xF;
	_ =	sdelay $0x1  }
.Ltmp4:
0x52: {  	(pc) =	sbr.rel @p1 .LBB2_3-.Ltmp4, $4  }
0x53: {  	s28 =	sadd.s32 $0x10, s28  }
0x54: {  	v6 =	vor.u32 s28, v0  }
0x55: {  	[tilespmem:v5+s18+$0x0] =	vst.idx.msk vm1, v6  }
0x56: {  	s30 =	sshra.s32 s29, $0x2;
	s29 =	sadd.s32 $0x40, s29;
	[tilespmem:v5+s19+$0x0] =	vst.idx.msk vm1, v4  }
0x57: {  	v4 =	vld [tilespmem:s30+$0xBC40];
	_ =	sdelay $0x4  }
0x58: {  	v3 =	vsub.s32 v4, v3  }
0x59: {  	vm1 =	vlt.u32 v3, $0xFA  }
0x5a: {  	v62 =	vsel vm1, $0x1, v1  }
0x5b: {  	(xrf0) =	vadd.scan.msk.s32 $0xffff, v62;
	_ =	sdelay $0x5  }
0x5c: {  	v4, _, _ =	vpop (xrf0)  }
0x5d: {  	(v2sf) =	vpush v4, $0xF;
	_ =	sdelay $0xd  }
0x5e: {  	s29 =	spop (v2sf)  }
0x5f: {  	s26 =	sadd.s32 s26, s29;
	s29 =	spop (v2sf)  }
0x60: {  	v5 =	vmov s26;
	s26 =	sadd.s32 s26, s29  }
0x61: {  	s29 =	sadd.s32 $0xF, s26  }
0x62: {  	v5 =	vadd.s32 $0xFFFFFFFF, v5;
	s31 =	sand.u32 $0xF, s29  }
0x63: {  	v5 =	vbroadcast v5, $0x0;
	p2 =	slt.s32 s29, $0x1;
	p1 =	sne.s32 s31, $0x0;
	s31 =	sshra.s32 s29, $0x1F  }
0x64: {  	s28 =	sadd.s32 $0x10, s28;
	s30 =	sshrl.u32 s31, $0x1C;
	p1 =	por !p2, !p1  }
0x65: {  	v4 =	vadd.s32 v4, v5;
	s31 =	sadd.s32 s30, s29;
	p1 =	por !p1, !p1;
	s29 =	simm.s32 $0x1  }
0x66: {  	v63 =	vor.u32 s28, v0;
	s28 =	sshra.s32 s31, $0x4;
	s29 =	simm.s32 @!p1 $0x0  }
0x67: {  	s29 =	ssub.s32 s28, s29  }
0x68: {  	p1 =	slt.s32 s29, $0x1  }
.Ltmp5:
0x69: {  	_ = 	snop;
	(pc) =	sbr.rel @p1 .LBB2_8-.Ltmp5, $4  }
0x6a: {  	[tilespmem:v4+s18+$0x0] =	vst.idx.msk vm1, v63  }
0x6b: {  	[tilespmem:v4+s19+$0x0] =	vst.idx.msk vm1, v3  }
0x6c: {  	[tilespmem:s26+$0xE350] =	vst v1  }
0x6d: {  	[tilespmem:s26+$0x10A70] =	vst v2  }
0x6e: {  	s26 =	simm.s32 $0xE350  }
0x6f: {  	v3 =	vld [tilespmem:s26+$0x0];
	_ =	sdelay $0x2  }
0x70: {  	s28 =	simm.s32 $0x10A70  }
0x71: {  	v4 =	vld [tilespmem:s28+$0x0];
	_ =	sdelay $0x3  }
0x72: {  	[tilespmem:s21], [sflag:$0x1] =	stream.indirect_vreg.gather [hbm4b:s6+s3], $0xC00, v3, vm0, $0xb8;
	[tilespmem:$0x1F190] =	vst v63  }
0x73: {  	p1 =	sne.s32 s29, $0x1;
	_ =	swait.ge [sflag:s20], $0xC000  }
.Ltmp6:
0x74: {  	[sflag:s20] =	ssyncset.done $0x0;
	(pc) =	sbr.rel @!p1 .LBB2_7-.Ltmp6, $4  }
0x75: {  	[sflag:s20] =	ssyncadd.s32 $0xFFFF4000  }
0x76: {  	[spmem:s2] =	stream.indirect_vreg.scatter.add.f32 [tilespmem:s21], [sflag:$0x2], $0xC00, v4, vm0, $0xb8;
	[tilespmem:$0x1F190] =	vst v63  }
0x77: {  	_ =	swait.ge [sflag:s15], $0xC000  }
0x78: {  	s29 =	sadd.s32 $0xFFFFFFFF, s29;
	[sflag:s15] =	ssyncset.done $0x0  }
.LBB2_6:
0x79: {  	[sflag:s15] =	ssyncadd.s32 $0xFFFF4000;
	s26 =	sadd.s32 $0x10, s26;
	s28 =	sadd.s32 $0x10, s28  }
0x7a: {  	p1 =	sne.s32 s29, $0x1;
	s29 =	sadd.s32 $0xFFFFFFFF, s29;
	v3 =	vld [tilespmem:s26+$0x0];
	_ =	sdelay $0x3  }
0x7b: {  	v4 =	vld [tilespmem:s28+$0x0];
	_ =	sdelay $0x3  }
0x7c: {  	[tilespmem:s21], [sflag:$0x1] =	stream.indirect_vreg.gather [hbm4b:s6+s3], $0xC00, v3, vm0, $0xb8;
	[tilespmem:$0x1F190] =	vst v63  }
0x7d: {  	_ =	swait.ge [sflag:s20], $0xC000  }
.Ltmp7:
0x7e: {  	[sflag:s20] =	ssyncset.done $0x0;
	(pc) =	sbr.rel @p1 .LBB2_6-.Ltmp7, $4  }
0x7f: {  	[sflag:s20] =	ssyncadd.s32 $0xFFFF4000  }
0x80: {  	[spmem:s2] =	stream.indirect_vreg.scatter.add.f32 [tilespmem:s21], [sflag:$0x2], $0xC00, v4, vm0, $0xb8;
	[tilespmem:$0x1F190] =	vst v63  }
0x81: {  	_ =	swait.ge [sflag:s15], $0xC000  }
0x82: {  	[sflag:s15] =	ssyncset.done $0x0  }
.Ltmp8:
0x83: {  	_ = 	snop;
	(pc) =	sbr.rel .LBB2_7-.Ltmp8, $1  }
0x84: {  	_ =	sdelay $0x3  }
.LBB2_10:
0x85: {  	_ =	sfence.sel $0x180000  }
0x86: {  	[bflag:$0x0] =	sbarrier.arrive $0xFFFF  }
0x87: {  	p0 =	sne.s32 s1, $0x0;
	_ =	strace $0x9000004A  }
0x88: {  	s0 =	sadd.s32 @!p0 $0x100000, s0;
	[bflag:$0x2] =	sbarrier.arrive $0xFFFF  }
0x89: {  	[sflag:s0] =	ssyncadd.tile.s32 @!p0 $0x1;
	_ =	shalt  }
.Lfunc_end2:
_tile_overlayer_lowered:
.L_overlay_start_2:
0x8a: {  	(tag) =	ssettag $0x2  }
0x8b: {  	s0 =	rddreg [dreg:$0x0];
	s2 =	stileid.u32  }
0x8c: {  	s1 =	rddreg [dreg:$0x1];
	p0 =	sne.s32 s2, $0x0  }
0x8d: {  	s3 =	rddreg [dreg:$0x2];
	[bflag:$0x3] =	sbarrier.arrive $0xFFFF;
	s2 =	simm.s32 @!p0 $0x1C02  }
0x8e: {  	[timem:s3], [sflag:s2] =	dma.local @!p0 [hbm:s0], s1  }
0x8f: {  	s0 =	simm.s32 @!p0 $0x2  }
0x90: {  	_ =	swait.ge @!p0 [sflag:s0], s1  }
0x91: {  	s1 =	ssub.s32 @!p0 $0x0, s1;
	[sflag:s0] =	ssyncset.done @!p0 $0x0  }
0x92: {  	[sflag:s0] =	ssyncadd.s32 @!p0 s1  }
0x93: {  	[bflag:$0x3] =	sbarrier.arrive $0xFFFF  }
0x94: {  	_ =	shalt  }

// kernel: sparse-core-data-format-call.cloned.1.call-start
scs
called_computation_lowered:
.L_overlay_start_0:
0x0: {  	s2 =	sld [smem:$0x3FD9]  }
0x1: {  	s3 =	sld [smem:$0x3FFE];
	_ =	sdelay $0x1  }
0x2: {  	s1 =	srdreg.scid  }
0x3: {  	s0 =	sand.u32 $0x1, s1  }
0x4: {  	s18 =	sshll.u32 s0, $0xA;
	s2 =	sadd.s32 s3, s2  }
0x5: {  	s2 =	sadd.s32 s2, s18  }
0x6: {  	[smem:$0x3FBB] =	sst s2  }
0x7: {  	_ = 	snop  }
0x8: {  	s2 =	sld [smem:$0x3FD0];
	(tm) =	ssettm $0x1  }
0x9: {  	s19 =	sld [smem:$0x3FFB];
	_ =	sdelay $0x3  }
0xa: {  	_ =	strace s19  }
0xb: {  	s3 =	sld [smem:$0x3FFC];
	_ =	sdelay $0x3  }
0xc: {  	_ =	strace s3  }
0xd: {  	s3 =	sld [smem:$0x3FFD];
	_ =	sdelay $0x3  }
0xe: {  	_ =	strace s3  }
0xf: {  	_ =	strace $0x8FFFFFFF  }
0x10: {  	s20 =	sld [smem:$0x3FDB];
	_ =	sdelay $0x1  }
0x11: {  	s4 =	simm.s32 $_scs_section_size  }
0x12: {  	s5 =	simm.s32 $_size__tile_overlayer_lowered;
	s6 =	simm.s32 $_tile_overlayer_lowered  }
0x13: {  	s23 =	simm.s32 $0x1BFF;
	s22 =	sshll.u32 s6, $0x1;
	s3 =	sadd.s32 s4, s20  }
0x14: {  	s7 =	simm.s32 $0x0;
	s21 =	sshll.u32 s5, $0x1;
	s5 =	sadd.s32 s22, s3  }
0x15: {  	[timem:s7], [sflag:s23] =	dma.local [hbm:s5], s21  }
0x16: {  	_ =	swait.ge [sflag:s23], s21  }
0x17: {  	s4 =	ssub.s32 $0x0, s21;
	[sflag:s23] =	ssyncset.done $0x0  }
0x18: {  	[sflag:s23] =	ssyncadd.s32 s4;
	_ =	sdelay $0x1  }
0x19: {  	s24 =	simm.s32 $0x1B8B  }
0x1a: {  	_ =	swait.ge [sflag:s24], $0x1  }
0x1b: {  	[sflag:s24] =	ssyncset.done $0x0  }
0x1c: {  	s26 =	simm.s32 $0x1B8E;
	s25 =	sld [smem:$0x3FFE];
	[sflag:s24] =	ssyncadd.s32 $0xFFFFFFFF  }
0x1d: {  	s27 =	simm.s32 $execute0_lowered;
	[smem:$0x3FD2] =	sst s26  }
0x1e: {  	s5 =	sshll.u32 s27, $0x1;
	_ =	strace $0x8000004C;
	[dreg:$0x1] =	wrdreg $0xFFFFFFFF  }
0x1f: {  	s28 =	simm.s32 $_size_execute0_lowered;
	s3 =	sadd.s32 s3, s5;
	[dreg:$0x0] =	wrdreg $0x0  }
0x20: {  	s5 =	sshll.u32 s28, $0x1;
	[dreg:$0x2] =	wrdreg s3  }
0x21: {  	[dreg:$0x3] =	wrdreg s5  }
0x22: {  	[dreg:$0x4] =	wrdreg $0xC0  }
0x23: {  	_ =	task [dreg:s7], $0x5FFFF  }
0x24: {  	[dreg:$0x1] =	wrdreg $0xFFFFFFFF  }
0x25: {  	[dreg:$0x0] =	wrdreg $0x60  }
0x26: {  	[dreg:$0x2] =	wrdreg s25  }
0x27: {  	[dreg:$0x3] =	wrdreg s2  }
0x28: {  	[dreg:$0x4] =	wrdreg $0x9  }
0x29: {  	_ =	task.clear_ibuf [dreg:s7], $0x5FFFF;
	_ =	strace $0x9000004C  }
0x2a: {  	s29 =	simm.s32 $0x9;
	_ =	strace $0x8000004E  }
0x2b: {  	_ =	swait.ge [sflag:s29], $0x1  }
0x2c: {  	[sflag:s29] =	ssyncadd.s32 $0xFFFFFFFF  }
0x2d: {  	_ =	strace $0x9000004E  }
0x2e: {  	_ =	sfence  }
0x2f: {  	s30 =	sld [smem:$0x0];
	_ =	sdelay $0x2  }
0x30: {  	s31 =	sshll.u32 s1, $0xD;
	s1 =	sshrl.u32 s1, $0x2  }
0x31: {  	s3 =	sand.u32 $0x4000, s31;
	s1 =	sadd.s32 s1, s30  }
0x32: {  	s0 =	sor.u32 s3, s0;
	s1 =	sshll.u32 s1, $0x11  }
0x33: {  	s0 =	sor.u32 s1, s0  }
0x34: {  	s0 =	sadd.s32 $0x8F2B, s0  }
0x35: {  	[sflag:s0] =	ssyncadd.remote.s32 $0x1  }
0x36: {  	_ =	sfence.sel $0xFFFF  }
0x37: {  	[dreg:$0x0] =	wrdreg $0xFFFFFFFF;
	(pc) =	sbr.abs _section_cstart, $3  }
0x38: {  	[dreg:$0x1] =	wrdreg $0xFFFFFFFF  }
0x39: {  	_ =	task.clear_ibuf [dreg:s7], $0x2FFFF;
	_ =	strace $0x9FFFFFFF  }
0x3a: {  	(tm) =	ssettm $0x7FFFFFFF  }
0x3b: {  	_ =	shalt  }
tec
execute0_lowered:
.L_overlay_start_1:
0x0: {  	(tag) =	ssettag $0x1  }
0x1: {  	s5 =	rddreg [dreg:$0x0]  }
0x2: {  	s0 =	srdreg.scid;
	s3 =	rddreg [dreg:$0x1];
	s31 =	simm.s32 $0x2  }
0x3: {  	s8 =	simm.s32 $0x0;
	s9 =	simm.s32 $0x0;
	s1 =	sshll.u32 s0, $0x4  }
0x4: {  	s16 =	simm.s32 $0x0;
	s0 =	stileid.u32;
	s1 =	sand.u32 $0x10, s1  }
0x5: {  	s15 =	simm.s32 $0x0;
	s10 =	simm.s32 $0x0;
	s1 =	sor.u32 s0, s1  }
0x6: {  	s11 =	simm.s32 $0x0;
	s12 =	simm.s32 $0x0;
	s2 =	sshll.u32 s1, $0x7  }
.Ltmp0:
0x7: {  	s14 =	simm.s32 $0x0;
	s4 =	ssub.s32 $0x2700, s2;
	(pc) =	sbr.rel .LBB1_1-.Ltmp0, $4  }
0x8: {  	s23 =	simm.s32 $0x0;
	s1 =	rddreg [dreg:$0x2];
	s6 =	sshrl.u32 s4, $0xC  }
0x9: {  	_ =	strace $0x8000004D;
	s4 =	simm.s32 $0x1;
	s7 =	smul.u32 $0x13, s6  }
0xa: {  	s5 =	sadd.s32 $0x2A8A00, s5;
	s13 =	smov.u32 s2;
	[sflag:s4] =	ssyncpa.u1 $0x0  }
0xb: {  	[sflag:s31] =	ssyncpa.u1 $0x0;
	s6 =	sadd.s32 $0x13, s7;
	s7 =	sadd.s32 $0x14, s7  }
.LBB1_11:
0xc: {  	s20 =	sand.u32 $0x1FFFFFF, s11;
	p0 =	sgt.s32 s10, $0x12;
	s21 =	smov.u32 s10  }
0xd: {  	s22 =	smulhi.u32 $0x1A36E2F, s20;
	s21 =	simm.s32 @!p0 $0x12  }
0xe: {  	s17 =	sadd.s32 s17, s21  }
0xf: {  	s27 =	sshrl.u32 s22, $0x6;
	s28 =	sadd.s32 $0xFFFFFFEE, s17  }
0x10: {  	s17 =	ssub.s32 $0x13, s17;
	s21 =	smul.u32 $0x2710, s27;
	p0 =	sgt.s32 s28, $0x0  }
0x11: {  	s29 =	smul.u32 $0x27100, s10;
	s17 =	simm.s32 @p0 $0x0  }
0x12: {  	s20 =	ssub.s32 s20, s21;
	s17 =	smul.u32 s17, s18  }
0x13: {  	s31 =	sadd.s32 s3, s29;
	s30 =	sshll.u32 s20, $0x4  }
0x14: {  	s19 =	sor.u32 $0x8000, s19;
	s17 =	sand.u32 $0x3FFFFF80, s17;
	s18 =	sadd.s32 s30, s31  }
0x15: {  	[hbm4b:s18+s8] =	stream.linear.scatter [tilespmem:s19], [sflag:$0x2], s17, $0x38;
	[tilespmem:$0x10000] =	vst v63  }
.LBB1_12:
0x16: {  	p0 =	slt.u32 s14, $0x2  }
0x17: {  	p1 =	sgt.s32 @!p0 s16, $0x12  }
0x18: {  	s17 =	smov.u32 s16;
	s18 =	sshra.s32 @!p0 s16, $0x1F;
	p1 =	por !p1, p0  }
0x19: {  	s19 =	sshra.s32 @!p0 s15, $0x1F;
	s17 =	simm.s32 @p1 $0x12;
	p1 =	sgt.s32 @!p0 s15, $0x2690  }
0x1a: {  	s16 =	sand.u32 @!p0 s18, s16;
	s18 =	smov.u32 s15;
	p1 =	por !p1, p0  }
0x1b: {  	s15 =	sand.u32 @!p0 s19, s15;
	s18 =	simm.s32 @p1 $0x2690  }
0x1c: {  	s19 =	smov.u32 s13;
	s16 =	ssub.s32 @!p0 s17, s16;
	s15 =	ssub.s32 @!p0 s18, s15  }
0x1d: {  	s17 =	sadd.s32 @!p0 $0xFFFFFFEE, s16;
	s16 =	ssub.s32 @!p0 $0x13, s16;
	s15 =	sadd.s32 @!p0 $0xFFFFD970, s15  }
0x1e: {  	p1 =	sgt.s32 @!p0 s17, $0x0;
	p2 =	sgt.s32 @!p0 s15, $0x7F;
	s15 =	sshll.u32 @!p0 s15, $0x7  }
0x1f: {  	p1 =	por !p1, p0;
	s15 =	ssub.s32 @!p0 $0x4000, s15;
	p2 =	por !p2, p0  }
0x20: {  	s17 =	sadd.s32 $0x1, s12;
	s16 =	simm.s32 @!p1 $0x0;
	s15 =	simm.s32 @!p2 $0x0  }
0x21: {  	p1 =	sgt.s32 s17, $0x12;
	s15 =	smul.u32 @!p0 s16, s15;
	s16 =	sadd.s32 $0x1000, s13  }
0x22: {  	s19 =	smov.u32 @p1 s16  }
0x23: {  	s17 =	simm.s32 @p1 $0x0;
	p1 =	sgt.s32 s19, $0x270F  }
0x24: {  	s19 =	smov.u32 @p1 s2;
	p1 =	sne.s32 s14, s7  }
.Ltmp1:
0x25: {  	s9 =	sadd.s32 $0x4000, s9;
	s18 =	simm.s32 @!p0 $0x2;
	(pc) =	sbr.rel @!p1 .LBB1_13-.Ltmp1, $4  }
0x26: {  	s16 =	smov.u32 s10;
	s10 =	smov.u32 s12;
	s15 =	sand.u32 @!p0 $0x3FFFFF80, s15  }
0x27: {  	s12 =	smov.u32 s17;
	_ =	swait.ge @!p0 [sflag:s18], s15;
	s20 =	ssub.s32 @!p0 $0x0, s15  }
0x28: {  	s15 =	smov.u32 s11;
	s14 =	sadd.s32 $0x1, s14;
	[sflag:s18] =	ssyncset.done @!p0 $0x0  }
0x29: {  	s11 =	smov.u32 s13;
	s13 =	smov.u32 s19;
	[sflag:s18] =	ssyncadd.s32 @!p0 s20  }
.LBB1_1:
0x2a: {  	p0 =	sge.u32 s14, s6  }
0x2b: {  	s18 =	smov.u32 s13;
	p1 =	sgt.s32 @!p0 s13, $0x2690;
	s17 =	sand.u32 @!p0 $0x1FFFFFF, s12  }
0x2c: {  	s19 =	sshra.s32 @!p0 s13, $0x1F;
	s20 =	sshra.s32 @!p0 s12, $0x1F;
	p1 =	por !p1, p0  }
0x2d: {  	s19 =	sand.u32 @!p0 s19, s13;
	s18 =	simm.s32 @p1 $0x2690;
	p1 =	sgt.s32 @!p0 s12, $0x17  }
0x2e: {  	s18 =	ssub.s32 @!p0 s18, s19;
	p1 =	por !p1, p0;
	s19 =	smov.u32 s12  }
0x2f: {  	s21 =	smulhi.u32 @!p0 $0xAAAAAAB, s17;
	s20 =	sand.u32 @!p0 s20, s12;
	s19 =	simm.s32 @p1 $0x17  }
0x30: {  	s18 =	sadd.s32 @!p0 $0xFFFFD970, s18;
	s19 =	ssub.s32 @!p0 s19, s20  }
0x31: {  	s20 =	smul.u32 @!p0 $0x18, s21;
	p1 =	sgt.s32 @!p0 s18, $0x7F;
	s21 =	sadd.s32 @!p0 $0xFFFFFFE9, s19  }
0x32: {  	s18 =	sshll.u32 @!p0 s18, $0x7;
	s19 =	ssub.s32 @!p0 $0x18, s19;
	p2 =	sgt.s32 @!p0 s21, $0x0  }
0x33: {  	s18 =	ssub.s32 @!p0 $0x4000, s18;
	p1 =	por !p1, p0;
	p2 =	por !p2, p0  }
0x34: {  	s18 =	simm.s32 @!p1 $0x0;
	s19 =	simm.s32 @!p2 $0x0  }
0x35: {  	s21 =	sxor.u32 @!p0 $0xFFFFFFFF, s14;
	s18 =	smul.u32 @!p0 s19, s18  }
0x36: {  	s17 =	ssub.s32 @!p0 s17, s20;
	s19 =	sshll.u32 @!p0 s21, $0xE;
	s21 =	smul.u32 @!p0 $0x180, s13  }
0x37: {  	s17 =	sshll.u32 @!p0 s17, $0x4  }
0x38: {  	s19 =	sand.u32 @!p0 $0x4000, s19;
	s18 =	sand.u32 @!p0 $0x3FFFFF80, s18;
	s20 =	sadd.s32 @!p0 s5, s21  }
0x39: {  	s21 =	simm.s32 @!p0 $0xC00;
	s17 =	sadd.s32 @!p0 s17, s20;
	s20 =	simm.s32 @!p0 $0x80  }
0x3a: {  	[tilespmem:s19], [sflag:$0x1] =	stream.strided.gather @!p0 [hbm4b:s17+s20], s18, s21, s20, $0x38;
	[tilespmem:$0x10000] =	vst v63  }
0x3b: {  	p0 =	seq.s32 s14, $0x0  }
0x3c: {  	p1 =	sge.u32 @!p0 s14, s7  }
0x3d: {  	p0 =	por p0, p1  }
.Ltmp2:
0x3e: {  	_ = 	snop;
	(pc) =	sbr.rel @p0 .LBB1_12-.Ltmp2, $1  }
0x3f: {  	_ =	sdelay $0x3  }
0x40: {  	p0 =	sgt.s32 s11, $0x2690;
	s17 =	smov.u32 s11;
	s18 =	sshra.s32 s11, $0x1F  }
0x41: {  	s19 =	ssub.s32 $0x0, s10;
	s17 =	simm.s32 @!p0 $0x2690;
	s18 =	sand.u32 s18, s11  }
0x42: {  	s20 =	sshra.s32 s10, $0x1F;
	s21 =	smov.u32 s10;
	s18 =	ssub.s32 s17, s18  }
0x43: {  	p0 =	sgt.s32 s10, $0x17;
	s17 =	sand.u32 s19, s20;
	s18 =	sadd.s32 $0xFFFFD970, s18  }
0x44: {  	s21 =	simm.s32 @!p0 $0x17;
	p0 =	sgt.s32 s18, $0x7F;
	s18 =	sshll.u32 s18, $0x7  }
0x45: {  	s20 =	sadd.s32 $0x80, s11;
	s19 =	sadd.s32 s17, s21;
	s18 =	ssub.s32 $0x4000, s18  }
0x46: {  	s21 =	sadd.s32 $0x1, s10;
	s18 =	simm.s32 @p0 $0x0;
	p0 =	slt.s32 s20, $0x2710  }
0x47: {  	s30 =	sadd.s32 $0xFFFFFFE9, s19;
	s20 =	simm.s32 @!p0 $0x2710;
	p0 =	slt.s32 s21, $0x13  }
0x48: {  	s19 =	ssub.s32 $0x18, s19;
	s20 =	ssub.s32 s20, s11;
	s21 =	simm.s32 @!p0 $0x13  }
0x49: {  	p1 =	sgt.s32 s30, $0x0;
	s21 =	ssub.s32 s21, s10;
	p0 =	slt.s32 s20, $0x1  }
0x4a: {  	s19 =	simm.s32 @p1 $0x0;
	p1 =	slt.s32 @!p0 s21, $0x1  }
0x4b: {  	s19 =	smul.u32 s19, s18;
	p0 =	por p0, p1  }
.Ltmp3:
0x4c: {  	_ = 	snop;
	(pc) =	sbr.rel @p0 .LBB1_11-.Ltmp3, $4  }
0x4d: {  	s19 =	sand.u32 $0x3FFFFF80, s19  }
0x4e: {  	_ =	swait.ge [sflag:s4], s19  }
0x4f: {  	s31 =	sshll.u32 s14, $0xE;
	s22 =	ssub.s32 $0x0, s19;
	[sflag:s4] =	ssyncset.done $0x0  }
0x50: {  	s19 =	sand.u32 $0x4000, s31;
	[sflag:s4] =	ssyncadd.s32 s22  }
0x51: {  	s22 =	sshll.u32 s9, $0x2  }
0x52: {  	s22 =	sand.u32 $0x10000, s22  }
0x53: {  	s22 =	sshrl.u32 s22, $0x2  }
0x54: {  	s24 =	simm.s32 $0x0;
	s25 =	simm.s32 $0x0;
	s22 =	sadd.s32 $0x8040, s22  }
.LBB1_4:
0x55: {  	s27 =	sshll.u32 s25, $0x7  }
0x56: {  	p1 =	sne.s32 s21, $0x1;
	s27 =	sadd.s32 s27, s19  }
.Ltmp4:
0x57: {  	v0 =	vmov s27;
	(pc) =	sbr.rel @!p1 .LBB1_5-.Ltmp4, $3  }
0x58: {  	_ =	sdelay $0x1  }
0x59: {  	s26 =	sand.u32 $0x3F80, s24;
	s28 =	sand.u32 $0x380, s23  }
0x5a: {  	p0 =	por $0x0, $0x0;
	s26 =	sadd.s32 s26, s22;
	s27 =	sadd.s32 $0xFFFFFFFF, s21  }
0x5b: {  	_ =	sdelay $0x3  }
0x5c: {  	v6 =	vld.idx.msk [tilespmem:v0+s28+$0x70 ss:$0x1], $0xffff  }
0x5d: {  	v7 =	vld.idx.msk [tilespmem:v0+s28+$0x0 ss:$0x1], $0xffff  }
0x5e: {  	v1 =	vld.idx.msk [tilespmem:v0+s28+$0x10 ss:$0x1], $0xffff;
	p1 =	sne.s32 s27, $0x1  }
.Ltmp5:
0x5f: {  	v2 =	vld.idx.msk [tilespmem:v0+s28+$0x20 ss:$0x1], $0xffff;
	(pc) =	sbr.rel @!p1 .LBB1_7-.Ltmp5, $4  }
0x60: {  	v3 =	vld.idx.msk [tilespmem:v0+s28+$0x30 ss:$0x1], $0xffff  }
0x61: {  	v4 =	vld.idx.msk [tilespmem:v0+s28+$0x40 ss:$0x1], $0xffff  }
0x62: {  	v5 =	vld.idx.msk [tilespmem:v0+s28+$0x50 ss:$0x1], $0xffff;
	s30 =	simm.s32 $0x80;
	s31 =	sadd.s32 $0xFFFFFFFF, s27;
	[tilespmem:s26+$0x30] =	vst v6  }
0x63: {  	p0 =	por $0x1, $0x1;
	s27 =	smov.u32 s26;
	s29 =	sand.u32 $0x380, s30;
	[tilespmem:s26+$0xFFFFFFC0] =	vst v7;
	v6 =	vld.idx.msk [tilespmem:v0+s28+$0x60 ss:$0x1], $0xffff  }
.LBB1_8:
0x64: {  	p1 =	sne.s32 s31, $0x1;
	v7 =	vld.idx.msk [tilespmem:v0+s29+$0x70 ss:$0x1], $0xffff;
	[tilespmem:s27+$0xFFFFFFD0] =	vst v1  }
0x65: {  	v8 =	vld.idx.msk [tilespmem:v0+s29+$0x0 ss:$0x1], $0xffff;
	[tilespmem:s27+$0xFFFFFFE0] =	vst v2  }
0x66: {  	v1 =	vld.idx.msk [tilespmem:v0+s29+$0x10 ss:$0x1], $0xffff;
	[tilespmem:s27+$0xFFFFFFF0] =	vst v3  }
.Ltmp6:
0x67: {  	v2 =	vld.idx.msk [tilespmem:v0+s29+$0x20 ss:$0x1], $0xffff;
	[tilespmem:s27+$0x0] =	vst v4;
	(pc) =	sbr.rel @p1 .LBB1_8-.Ltmp6, $4  }
0x68: {  	v3 =	vld.idx.msk [tilespmem:v0+s29+$0x30 ss:$0x1], $0xffff;
	[tilespmem:s27+$0x10] =	vst v5  }
0x69: {  	v4 =	vld.idx.msk [tilespmem:v0+s29+$0x40 ss:$0x1], $0xffff;
	[tilespmem:s27+$0x20] =	vst v6;
	s27 =	sadd.s32 $0x4000, s27  }
0x6a: {  	s30 =	sadd.s32 $0x80, s30;
	v5 =	vld.idx.msk [tilespmem:v0+s29+$0x50 ss:$0x1], $0xffff;
	[tilespmem:s27+$0x30] =	vst v7  }
0x6b: {  	s31 =	sadd.s32 $0xFFFFFFFF, s31;
	[tilespmem:s27+$0xFFFFFFC0] =	vst v8;
	v6 =	vld.idx.msk [tilespmem:v0+s29+$0x60 ss:$0x1], $0xffff;
	s29 =	sand.u32 $0x380, s30  }
0x6c: {  	s28 =	smov.u32 s29  }
.LBB1_10:
0x6d: {  	_ =	sdelay $0x2  }
0x6e: {  	[tilespmem:s27+$0xFFFFFFD0] =	vst @p0 v1  }
0x6f: {  	v56 =	vld.idx.msk [tilespmem:v0+s28+$0x70 ss:$0x1], $0xffff;
	[tilespmem:s27+$0xFFFFFFE0] =	vst @p0 v2  }
0x70: {  	v57 =	vld.idx.msk [tilespmem:v0+s28+$0x0 ss:$0x1], $0xffff;
	[tilespmem:s27+$0xFFFFFFF0] =	vst @p0 v3  }
0x71: {  	v58 =	vld.idx.msk [tilespmem:v0+s28+$0x10 ss:$0x1], $0xffff;
	[tilespmem:s27+$0x0] =	vst @p0 v4  }
0x72: {  	v59 =	vld.idx.msk [tilespmem:v0+s28+$0x20 ss:$0x1], $0xffff;
	s29 =	sadd.s32 @p0 $0x4000, s27;
	[tilespmem:s27+$0x10] =	vst @p0 v5  }
0x73: {  	v60 =	vld.idx.msk [tilespmem:v0+s28+$0x30 ss:$0x1], $0xffff;
	s26 =	smov.u32 @p0 s29;
	[tilespmem:s27+$0x20] =	vst @p0 v6  }
0x74: {  	v61 =	vld.idx.msk [tilespmem:v0+s28+$0x40 ss:$0x1], $0xffff;
	[tilespmem:s26+$0x30] =	vst v56  }
0x75: {  	v62 =	vld.idx.msk [tilespmem:v0+s28+$0x50 ss:$0x1], $0xffff;
	s25 =	sadd.s32 $0x1, s25;
	[tilespmem:s26+$0xFFFFFFC0] =	vst v57  }
0x76: {  	v63 =	vld.idx.msk [tilespmem:v0+s28+$0x60 ss:$0x1], $0xffff;
	p0 =	sne.s32 s25, s20;
	[tilespmem:s26+$0xFFFFFFD0] =	vst v58  }
.Ltmp7:
0x77: {  	[tilespmem:s26+$0xFFFFFFE0] =	vst v59;
	(pc) =	sbr.rel @p0 .LBB1_4-.Ltmp7, $4  }
.Ltmp8:
0x78: {  	[tilespmem:s26+$0xFFFFFFF0] =	vst v60;
	(pc) =	sbr.rel @!p0 .LBB1_11-.Ltmp8, $4  }
0x79: {  	[tilespmem:s26+$0x0] =	vst v61  }
0x7a: {  	[tilespmem:s26+$0x10] =	vst v62  }
0x7b: {  	s24 =	sadd.s32 $0x80, s24;
	[tilespmem:s26+$0x20] =	vst v63  }
0x7c: {  	_ = 	snop  }
.LBB1_5:
.Ltmp9:
0x7d: {  	(pc) =	sbr.rel .LBB1_10-.Ltmp9, $2  }
0x7e: {  	_ =	sdelay $0x2  }
0x7f: {  	s27 =	smov.u32 s26  }
.LBB1_7:
.Ltmp10:
0x80: {  	(pc) =	sbr.rel .LBB1_10-.Ltmp10, $2  }
0x81: {  	_ =	sdelay $0x2  }
0x82: {  	s28 =	smov.u32 s29;
	s27 =	smov.u32 s26  }
.LBB1_13:
0x83: {  	_ =	sfence.sel $0x180000  }
0x84: {  	s2 =	simm.s32 $0x1;
	[bflag:$0x0] =	sbarrier.arrive $0xFFFF  }
0x85: {  	s31 =	simm.s32 $0x2;
	[sflag:s2] =	ssyncpa.u1 $0x1  }
0x86: {  	[sflag:s31] =	ssyncpa.u1 $0x1  }
0x87: {  	p0 =	sne.s32 s0, $0x0;
	_ =	strace $0x9000004D  }
0x88: {  	s0 =	sadd.s32 @!p0 $0x100000, s1;
	[bflag:$0x2] =	sbarrier.arrive $0xFFFF  }
0x89: {  	[sflag:s0] =	ssyncadd.tile.s32 @!p0 $0x1;
	_ =	shalt  }
.Lfunc_end1:
_tile_overlayer_lowered:
.L_overlay_start_2:
0x8a: {  	(tag) =	ssettag $0x2  }
0x8b: {  	s0 =	rddreg [dreg:$0x0];
	s2 =	stileid.u32  }
0x8c: {  	s1 =	rddreg [dreg:$0x1];
	p0 =	sne.s32 s2, $0x0  }
0x8d: {  	s3 =	rddreg [dreg:$0x2];
	[bflag:$0x3] =	sbarrier.arrive $0xFFFF;
	s2 =	simm.s32 @!p0 $0x1C01  }
0x8e: {  	[timem:s3], [sflag:s2] =	dma.local @!p0 [hbm:s0], s1  }
0x8f: {  	s0 =	simm.s32 @!p0 $0x1  }
0x90: {  	_ =	swait.ge @!p0 [sflag:s0], s1  }
0x91: {  	s1 =	ssub.s32 @!p0 $0x0, s1;
	[sflag:s0] =	ssyncset.done @!p0 $0x0  }
0x92: {  	[sflag:s0] =	ssyncadd.s32 @!p0 s1  }
0x93: {  	[bflag:$0x3] =	sbarrier.arrive $0xFFFF  }
0x94: {  	_ =	shalt  }

</sc_bundles>
